<compile_context>
chip_gen: v7x
topology: tpu7x:2x2x1
jax: 0.10.2.dev20260603
libtpu: 0.0.44.dev20260713+nightly
codegen_flags: <defaults>
</compile_context>

<pallas_src>
import functools

import jax
import jax.numpy as jnp
from jax import lax
from jax.experimental import pallas as pl
from jax.experimental.pallas import tpu as pltpu
from jax.experimental.pallas import tpu_sc as plsc

B, T, F = 16, 2048, 1024
E = 2
TCB = B - E
W_PER_EX = 16
ROWS_PER_W = T // W_PER_EX
CH = 32
K = ROWS_PER_W // CH
NVREG = F // 16



def _tc_body(x_ref, o_ref):
    b = pl.program_id(0)
    x = x_ref[0]
    m = jnp.max(jnp.abs(x), axis=1)
    c = jnp.sum((m > 0.0).astype(jnp.int32))
    t = jnp.maximum(c - 1, 0)
    o_ref[pl.ds(b, 1), :] = x_ref[0, pl.ds(t, 1), :]


_tc_part = pl.pallas_call(
    _tc_body,
    grid=(TCB,),
    in_specs=[pl.BlockSpec((1, T, F), lambda b: (b, 0, 0))],
    out_specs=pl.BlockSpec((TCB, F), lambda b: (0, 0)),
    out_shape=jax.ShapeDtypeStruct((TCB, F), jnp.float32),
    compiler_params=pltpu.CompilerParams(
        dimension_semantics=("arbitrary",),
    ),
)



_sc_mesh = plsc.VectorSubcoreMesh(core_axis_name="c", subcore_axis_name="s", num_cores=2)


@functools.partial(
    pl.kernel,
    mesh=_sc_mesh,
    out_type=jax.ShapeDtypeStruct((E, F), jnp.float32),
    scratch_types=[
        pltpu.VMEM((2, CH, F), jnp.float32),
        pltpu.VMEM((16,), jnp.int32),
        pltpu.VMEM((W_PER_EX, 16), jnp.int32),
        pltpu.VMEM((1, F), jnp.float32),
        pltpu.VMEM_SHARED((16, 16), jnp.int32),
        pltpu.SemaphoreType.DMA,
        pltpu.SemaphoreType.DMA,
    ],
    compiler_params=pltpu.CompilerParams(needs_layout_passes=False),
)
def _sc_part(x_hbm, out_hbm, buf, stage, cntb, row, shared, sem0, sem1):
    c = lax.axis_index("c")
    s = lax.axis_index("s")
    n_local = 16 // W_PER_EX
    local_e = s // W_PER_EX
    e_sc = c * n_local + local_e
    base_row = (TCB + e_sc) * T + (s % W_PER_EX) * ROWS_PER_W

    sems = (sem0, sem1)

    def copy_chunk(k_chunk, slot):
        return pltpu.make_async_copy(
            x_hbm.at[pl.ds(base_row + k_chunk * CH, CH)],
            buf.at[slot],
            sems[slot],
        )

    copy_chunk(0, 0).start()
    copy_chunk(1, 1).start()

    one16 = jnp.ones((16,), jnp.int32)

    def count_chunk(slot, cnt0):
        def row_body(r, cnt):
            accs = [jnp.abs(buf[slot, r, pl.ds(16 * a, 16)]) for a in range(4)]
            for j in range(4, NVREG):
                a = j % 4
                accs[a] = jnp.maximum(
                    accs[a], jnp.abs(buf[slot, r, pl.ds(16 * j, 16)])
                )
            acc = jnp.maximum(
                jnp.maximum(accs[0], accs[1]), jnp.maximum(accs[2], accs[3])
            )
            pop = plsc.all_reduce_population_count(acc > 0.0)
            return cnt + jnp.minimum(pop, one16)

        return lax.fori_loop(0, CH, row_body, cnt0)

    def outer(ko, cnt):
        for slot in range(2):
            k_chunk = 2 * ko + slot
            copy_chunk(k_chunk, slot).wait()
            cnt = count_chunk(slot, cnt)

            @pl.when(k_chunk + 2 < K)
            def _():
                copy_chunk(k_chunk + 2, slot).start()
        return cnt

    cnt_vec = lax.fori_loop(0, K // 2, outer, jnp.zeros((16,), jnp.int32))

    stage[...] = cnt_vec
    pltpu.sync_copy(stage, shared.at[s])
    plsc.subcore_barrier()

    @pl.when(s % W_PER_EX == 0)
    def _():
        pltpu.sync_copy(shared.at[pl.ds(s, W_PER_EX)], cntb)
        total_vec = cntb[0, :]
        for r in range(1, W_PER_EX):
            total_vec = total_vec + cntb[r, :]
        t_vec = jnp.minimum(jnp.maximum(total_vec - 1, 0), T - 1)
        t = t_vec[0]
        g = (TCB + e_sc) * T + t
        pltpu.sync_copy(x_hbm.at[pl.ds(g, 1)], row)
        pltpu.sync_copy(row, out_hbm.at[pl.ds(e_sc, 1)])


def kernel(inputs):
    x2d = inputs.reshape(B * T, F)
    sc_out = _sc_part(x2d)
    tc_out = _tc_part(inputs)
    return jnp.concatenate([tc_out, sc_out], axis=0)

# --- scband reference (transcript-rebuilt; emitter-appended) ---
"""Pipeline reference for scband-reduce-last-55336358641741 (READ-ONLY COPY).

The authoritative reference and input builder live on the scoring server;
editing this copy changes nothing except your own understanding.
"""

import jax, jax.numpy as jnp
import numpy as np


def sequence_length_3D(sequence):
    # Ludwig's sequence_length_3D: a timestep is 'used' if any feature is nonzero
    used = jnp.sign(jnp.max(jnp.abs(sequence), axis=2))
    length = jnp.sum(used, axis=1).astype(jnp.int32)
    return length


def setup_inputs(seed: int = 0) -> dict:
    key = jax.random.key(seed)
    inputs = jax.random.normal(key, (16, 2048, 1024), dtype=jnp.float32)
    return {"inputs": inputs}


def reference(inputs):
    batch_size = inputs.shape[0]
    sequence_length = sequence_length_3D(inputs) - 1
    sequence_length = jnp.where(sequence_length < 0, 0, sequence_length)
    gathered = inputs[jnp.arange(batch_size), sequence_length.astype(jnp.int64)]
    return gathered

if __name__ == "__main__":
    import jax
    _d = setup_inputs()
    print(jax.jit(kernel)(*tuple(_d.values())))

</pallas_src>

<mosaic_0001>
#map = affine_map<(d0, d1) -> (0, 0)>
module attributes {stable_mosaic.version = 14 : i64} {
  func.func @_sc_part(%arg0: i32, %arg1: i32, %arg2: memref<32768x1024xf32, #tpu.memory_space<hbm>>, %arg3: memref<2x1024xf32, #tpu.memory_space<hbm>>, %arg4: memref<2x32x1024xf32, #tpu.memory_space<vmem>>, %arg5: memref<16xi32, #tpu.memory_space<vmem>>, %arg6: memref<16x16xi32, #tpu.memory_space<vmem>>, %arg7: memref<1x1024xf32, #tpu.memory_space<vmem>>, %arg8: memref<16x16xi32, #tpu.memory_space<vmem_shared>>, %arg9: memref<!tpu.dma_semaphore, #tpu.memory_space<semaphore_mem>>, %arg10: memref<!tpu.dma_semaphore, #tpu.memory_space<semaphore_mem>>) attributes {dimension_semantics = [#tpu.dimension_semantics<core_parallel>, #tpu.dimension_semantics<subcore_parallel>], iteration_bounds = array<i64: 2, 16>, scalar_prefetch = 0 : i64, scratch_operands = 7 : i64, tpu.core_type = #tpu.core_type<sc_vector_subcore>, window_params = [{transform_indices = #map}, {transform_indices = #map}]} {
    %jit3A = arith.constant 16 : i32
    %div3A = arith.divsi %arg1, %jit3A : i32
    %sign3A = arith.constant 0 : i32
    %sign3A_0 = arith.cmpi sgt, %arg1, %sign3A : i32
    %sign3A_1 = arith.extui %sign3A_0 : i1 to i32
    %sign3A_2 = arith.constant 0 : i32
    %sign3A_3 = arith.cmpi slt, %arg1, %sign3A_2 : i32
    %sign3A_4 = arith.extui %sign3A_3 : i1 to i32
    %sign3A_5 = arith.subi %sign3A_1, %sign3A_4 : i32
    %sign3A_6 = arith.constant 0 : i32
    %sign3A_7 = arith.cmpi sgt, %jit3A, %sign3A_6 : i32
    %sign3A_8 = arith.extui %sign3A_7 : i1 to i32
    %sign3A_9 = arith.constant 0 : i32
    %sign3A_10 = arith.cmpi slt, %jit3A, %sign3A_9 : i32
    %sign3A_11 = arith.extui %sign3A_10 : i1 to i32
    %sign3A_12 = arith.subi %sign3A_8, %sign3A_11 : i32
    %ne3A = arith.cmpi ne, %sign3A_5, %sign3A_12 : i32
    %rem3A = arith.remsi %arg1, %jit3A : i32
    %ne3A_13 = arith.constant 0 : i32
    %ne3A_14 = arith.cmpi ne, %rem3A, %ne3A_13 : i32
    %and3A = arith.andi %ne3A, %ne3A_14 : i1
    %sub3A = arith.constant 1 : i32
    %sub3A_15 = arith.subi %div3A, %sub3A : i32
    %select_n3A = arith.select %and3A, %sub3A_15, %div3A : i32
    %mul3A = arith.constant 1 : i32
    %mul3A_16 = arith.muli %arg0, %mul3A : i32
    %add3A = arith.addi %mul3A_16, %select_n3A : i32
    %add3A_17 = arith.constant 14 : i32
    %add3A_18 = arith.addi %add3A_17, %add3A : i32
    %mul3A_19 = arith.constant 2048 : i32
    %mul3A_20 = arith.muli %add3A_18, %mul3A_19 : i32
    %jit3A_21 = arith.constant 16 : i32
    %eq3A = arith.constant 0 : i32
    %eq3A_22 = arith.cmpi eq, %jit3A_21, %eq3A : i32
    %jit3A_23 = arith.constant 1 : i32
    %select_n3A_24 = arith.select %eq3A_22, %jit3A_23, %jit3A_21 : i32
    %rem3A_25 = arith.remsi %arg1, %select_n3A_24 : i32
    %ne3A_26 = arith.constant 0 : i32
    %ne3A_27 = arith.cmpi ne, %rem3A_25, %ne3A_26 : i32
    %lt3A = arith.constant 0 : i32
    %lt3A_28 = arith.cmpi slt, %rem3A_25, %lt3A : i32
    %lt3A_29 = arith.constant 0 : i32
    %lt3A_30 = arith.cmpi slt, %select_n3A_24, %lt3A_29 : i32
    %ne3A_31 = arith.xori %lt3A_28, %lt3A_30 : i1
    %and3A_32 = arith.andi %ne3A_31, %ne3A_27 : i1
    %add3A_33 = arith.addi %rem3A_25, %select_n3A_24 : i32
    %select_n3A_34 = arith.select %and3A_32, %add3A_33, %rem3A_25 : i32
    %mul3A_35 = arith.constant 128 : i32
    %mul3A_36 = arith.muli %select_n3A_34, %mul3A_35 : i32
    %add3A_37 = arith.addi %mul3A_20, %mul3A_36 : i32
    %add3A_38 = arith.constant 0 : i32
    %add3A_39 = arith.addi %add3A_37, %add3A_38 : i32
    %dma_start3A = arith.constant 0 : i32
    %dma_start3A_40 = arith.constant 0 : i32
    %dma_start3A_41 = arith.constant 0 : i32
    %dma_start3A_42 = tpu.memref_slice %arg4[%dma_start3A, %dma_start3A_40, %dma_start3A_41] : memref<2x32x1024xf32, #tpu.memory_space<vmem>> -> memref<1x32x1024xf32, #tpu.memory_space<vmem>>
    %dma_start3A_43 = tpu.memref_squeeze %dma_start3A_42 : memref<1x32x1024xf32, #tpu.memory_space<vmem>> -> memref<32x1024xf32, #tpu.memory_space<vmem>>
    %dma_start3A_44 = arith.constant 0 : i32
    %dma_start3A_45 = tpu.memref_slice %arg2[%add3A_39, %dma_start3A_44] : memref<32768x1024xf32, #tpu.memory_space<hbm>> -> memref<32x1024xf32, #tpu.memory_space<hbm>>
    %dma_start3A_46 = arith.constant 0 : i32
    %dma_start3A_47 = arith.constant 0 : i32
    %dma_start3A_48 = tpu.memref_slice %arg4[%dma_start3A, %dma_start3A_46, %dma_start3A_47] : memref<2x32x1024xf32, #tpu.memory_space<vmem>> -> memref<1x32x1024xf32, #tpu.memory_space<vmem>>
    %dma_start3A_49 = tpu.memref_squeeze %dma_start3A_48 : memref<1x32x1024xf32, #tpu.memory_space<vmem>> -> memref<32x1024xf32, #tpu.memory_space<vmem>>
    %dma_start3A_50 = arith.constant 0 : i32
    %dma_start3A_51 = tpu.memref_slice %arg2[%add3A_39, %dma_start3A_50] : memref<32768x1024xf32, #tpu.memory_space<hbm>> -> memref<32x1024xf32, #tpu.memory_space<hbm>>
    tpu.enqueue_dma source(%dma_start3A_51 : memref<32x1024xf32, #tpu.memory_space<hbm>>) target(%dma_start3A_49 : memref<32x1024xf32, #tpu.memory_space<vmem>>) target_semaphore(%arg9 : memref<!tpu.dma_semaphore, #tpu.memory_space<semaphore_mem>>)
    %add3A_52 = arith.constant 32 : i32
    %add3A_53 = arith.addi %add3A_37, %add3A_52 : i32
    %dma_start3A_54 = arith.constant 1 : i32
    %dma_start3A_55 = arith.constant 0 : i32
    %dma_start3A_56 = arith.constant 0 : i32
    %dma_start3A_57 = tpu.memref_slice %arg4[%dma_start3A_54, %dma_start3A_55, %dma_start3A_56] : memref<2x32x1024xf32, #tpu.memory_space<vmem>> -> memref<1x32x1024xf32, #tpu.memory_space<vmem>>
    %dma_start3A_58 = tpu.memref_squeeze %dma_start3A_57 : memref<1x32x1024xf32, #tpu.memory_space<vmem>> -> memref<32x1024xf32, #tpu.memory_space<vmem>>
    %dma_start3A_59 = arith.constant 0 : i32
    %dma_start3A_60 = tpu.memref_slice %arg2[%add3A_53, %dma_start3A_59] : memref<32768x1024xf32, #tpu.memory_space<hbm>> -> memref<32x1024xf32, #tpu.memory_space<hbm>>
    %dma_start3A_61 = arith.constant 0 : i32
    %dma_start3A_62 = arith.constant 0 : i32
    %dma_start3A_63 = tpu.memref_slice %arg4[%dma_start3A_54, %dma_start3A_61, %dma_start3A_62] : memref<2x32x1024xf32, #tpu.memory_space<vmem>> -> memref<1x32x1024xf32, #tpu.memory_space<vmem>>
    %dma_start3A_64 = tpu.memref_squeeze %dma_start3A_63 : memref<1x32x1024xf32, #tpu.memory_space<vmem>> -> memref<32x1024xf32, #tpu.memory_space<vmem>>
    %dma_start3A_65 = arith.constant 0 : i32
    %dma_start3A_66 = tpu.memref_slice %arg2[%add3A_53, %dma_start3A_65] : memref<32768x1024xf32, #tpu.memory_space<hbm>> -> memref<32x1024xf32, #tpu.memory_space<hbm>>
    tpu.enqueue_dma source(%dma_start3A_66 : memref<32x1024xf32, #tpu.memory_space<hbm>>) target(%dma_start3A_64 : memref<32x1024xf32, #tpu.memory_space<vmem>>) target_semaphore(%arg10 : memref<!tpu.dma_semaphore, #tpu.memory_space<semaphore_mem>>)
    %broadcast_in_dim3A = arith.constant 1 : i32
    %broadcast_in_dim3A_67 = vector.broadcast %broadcast_in_dim3A : i32 to vector<16xi32>
    %broadcast_in_dim3A_68 = arith.constant 0 : i32
    %broadcast_in_dim3A_69 = vector.broadcast %broadcast_in_dim3A_68 : i32 to vector<16xi32>
    %scan3A = arith.constant 0 : i32
    %scan3A_70 = arith.constant 2 : i32
    %scan3A_71 = arith.addi %scan3A, %scan3A_70 : i32
    %scan3A_72 = arith.constant 1 : i32
    %scan3A_73 = scf.for %scan3A_95 = %scan3A to %scan3A_71 step %scan3A_72 iter_args(%scan3A_96 = %broadcast_in_dim3A_69) -> (vector<16xi32>)  : i32 {
      %mul3A_97 = arith.constant 2 : i32
      %mul3A_98 = arith.muli %mul3A_97, %scan3A_95 : i32
      %add3A_99 = arith.constant 0 : i32
      %add3A_100 = arith.addi %mul3A_98, %add3A_99 : i32
      %mul3A_101 = arith.constant 32 : i32
      %mul3A_102 = arith.muli %add3A_100, %mul3A_101 : i32
      %add3A_103 = arith.addi %add3A_37, %mul3A_102 : i32
      %dma_wait3A = arith.constant 0 : i32
      %dma_wait3A_104 = arith.constant 0 : i32
      %dma_wait3A_105 = arith.constant 0 : i32
      %dma_wait3A_106 = tpu.memref_slice %arg4[%dma_wait3A, %dma_wait3A_104, %dma_wait3A_105] : memref<2x32x1024xf32, #tpu.memory_space<vmem>> -> memref<1x32x1024xf32, #tpu.memory_space<vmem>>
      %dma_wait3A_107 = tpu.memref_squeeze %dma_wait3A_106 : memref<1x32x1024xf32, #tpu.memory_space<vmem>> -> memref<32x1024xf32, #tpu.memory_space<vmem>>
      %dma_wait3A_108 = arith.constant 0 : i32
      %dma_wait3A_109 = tpu.memref_slice %arg2[%add3A_103, %dma_wait3A_108] : memref<32768x1024xf32, #tpu.memory_space<hbm>> -> memref<32x1024xf32, #tpu.memory_space<hbm>>
      %dma_wait3A_110 = arith.constant 0 : i32
      %dma_wait3A_111 = arith.constant 0 : i32
      %dma_wait3A_112 = tpu.memref_slice %arg4[%dma_wait3A, %dma_wait3A_110, %dma_wait3A_111] : memref<2x32x1024xf32, #tpu.memory_space<vmem>> -> memref<1x32x1024xf32, #tpu.memory_space<vmem>>
      %dma_wait3A_113 = tpu.memref_squeeze %dma_wait3A_112 : memref<1x32x1024xf32, #tpu.memory_space<vmem>> -> memref<32x1024xf32, #tpu.memory_space<vmem>>
      %dma_wait3A_114 = arith.constant 0 : i32
      %dma_wait3A_115 = tpu.memref_slice %arg2[%add3A_103, %dma_wait3A_114] : memref<32768x1024xf32, #tpu.memory_space<hbm>> -> memref<32x1024xf32, #tpu.memory_space<hbm>>
      tpu.wait_dma2 semaphore(%arg9 : memref<!tpu.dma_semaphore, #tpu.memory_space<semaphore_mem>>) src(%dma_wait3A_115 : memref<32x1024xf32, #tpu.memory_space<hbm>>) dst(%dma_wait3A_113 : memref<32x1024xf32, #tpu.memory_space<vmem>>)
      %scan3A_116 = arith.constant 0 : i32
      %scan3A_117 = arith.constant 32 : i32
      %scan3A_118 = arith.addi %scan3A_116, %scan3A_117 : i32
      %scan3A_119 = arith.constant 1 : i32
      %scan3A_120 = scf.for %scan3A_162 = %scan3A_116 to %scan3A_118 step %scan3A_119 iter_args(%scan3A_163 = %scan3A_96) -> (vector<16xi32>)  : i32 {
        %get3A = arith.constant 0 : i32
        %get3A_164 = arith.index_cast %get3A : i32 to index
        %get3A_165 = arith.index_cast %scan3A_162 : i32 to index
        %get3A_166 = arith.constant 0 : index
        %get3A_167 = tpu.vector_load %arg4[%get3A_164, %get3A_165, %get3A_166] {strides = array<i32>} : memref<2x32x1024xf32, #tpu.memory_space<vmem>>, vector<16xf32>,
        %abs3A = math.absf %get3A_167 : vector<16xf32>
        %get3A_168 = arith.constant 0 : i32
        %get3A_169 = arith.index_cast %get3A_168 : i32 to index
        %get3A_170 = arith.index_cast %scan3A_162 : i32 to index
        %get3A_171 = arith.constant 16 : index
        %get3A_172 = tpu.vector_load %arg4[%get3A_169, %get3A_170, %get3A_171] {strides = array<i32>} : memref<2x32x1024xf32, #tpu.memory_space<vmem>>, vector<16xf32>,
        %abs3A_173 = math.absf %get3A_172 : vector<16xf32>
        %get3A_174 = arith.constant 0 : i32
        %get3A_175 = arith.index_cast %get3A_174 : i32 to index
        %get3A_176 = arith.index_cast %scan3A_162 : i32 to index
        %get3A_177 = arith.constant 32 : index
        %get3A_178 = tpu.vector_load %arg4[%get3A_175, %get3A_176, %get3A_177] {strides = array<i32>} : memref<2x32x1024xf32, #tpu.memory_space<vmem>>, vector<16xf32>,
        %abs3A_179 = math.absf %get3A_178 : vector<16xf32>
        %get3A_180 = arith.constant 0 : i32
        %get3A_181 = arith.index_cast %get3A_180 : i32 to index
        %get3A_182 = arith.index_cast %scan3A_162 : i32 to index
        %get3A_183 = arith.constant 48 : index
        %get3A_184 = tpu.vector_load %arg4[%get3A_181, %get3A_182, %get3A_183] {strides = array<i32>} : memref<2x32x1024xf32, #tpu.memory_space<vmem>>, vector<16xf32>,
        %abs3A_185 = math.absf %get3A_184 : vector<16xf32>
        %get3A_186 = arith.constant 0 : i32
        %get3A_187 = arith.index_cast %get3A_186 : i32 to index
        %get3A_188 = arith.index_cast %scan3A_162 : i32 to index
        %get3A_189 = arith.constant 64 : index
        %get3A_190 = tpu.vector_load %arg4[%get3A_187, %get3A_188, %get3A_189] {strides = array<i32>} : memref<2x32x1024xf32, #tpu.memory_space<vmem>>, vector<16xf32>,
        %abs3A_191 = math.absf %get3A_190 : vector<16xf32>
        %max3A = arith.maximumf %abs3A, %abs3A_191 : vector<16xf32>
        %get3A_192 = arith.constant 0 : i32
        %get3A_193 = arith.index_cast %get3A_192 : i32 to index
        %get3A_194 = arith.index_cast %scan3A_162 : i32 to index
        %get3A_195 = arith.constant 80 : index
        %get3A_196 = tpu.vector_load %arg4[%get3A_193, %get3A_194, %get3A_195] {strides = array<i32>} : memref<2x32x1024xf32, #tpu.memory_space<vmem>>, vector<16xf32>,
        %abs3A_197 = math.absf %get3A_196 : vector<16xf32>
        %max3A_198 = arith.maximumf %abs3A_173, %abs3A_197 : vector<16xf32>
        %get3A_199 = arith.constant 0 : i32
        %get3A_200 = arith.index_cast %get3A_199 : i32 to index
        %get3A_201 = arith.index_cast %scan3A_162 : i32 to index
        %get3A_202 = arith.constant 96 : index
        %get3A_203 = tpu.vector_load %arg4[%get3A_200, %get3A_201, %get3A_202] {strides = array<i32>} : memref<2x32x1024xf32, #tpu.memory_space<vmem>>, vector<16xf32>,
        %abs3A_204 = math.absf %get3A_203 : vector<16xf32>
        %max3A_205 = arith.maximumf %abs3A_179, %abs3A_204 : vector<16xf32>
        %get3A_206 = arith.constant 0 : i32
        %get3A_207 = arith.index_cast %get3A_206 : i32 to index
        %get3A_208 = arith.index_cast %scan3A_162 : i32 to index
        %get3A_209 = arith.constant 112 : index
        %get3A_210 = tpu.vector_load %arg4[%get3A_207, %get3A_208, %get3A_209] {strides = array<i32>} : memref<2x32x1024xf32, #tpu.memory_space<vmem>>, vector<16xf32>,
        %abs3A_211 = math.absf %get3A_210 : vector<16xf32>
        %max3A_212 = arith.maximumf %abs3A_185, %abs3A_211 : vector<16xf32>
        %get3A_213 = arith.constant 0 : i32
        %get3A_214 = arith.index_cast %get3A_213 : i32 to index
        %get3A_215 = arith.index_cast %scan3A_162 : i32 to index
        %get3A_216 = arith.constant 128 : index
        %get3A_217 = tpu.vector_load %arg4[%get3A_214, %get3A_215, %get3A_216] {strides = array<i32>} : memref<2x32x1024xf32, #tpu.memory_space<vmem>>, vector<16xf32>,
        %abs3A_218 = math.absf %get3A_217 : vector<16xf32>
        %max3A_219 = arith.maximumf %max3A, %abs3A_218 : vector<16xf32>
        %get3A_220 = arith.constant 0 : i32
        %get3A_221 = arith.index_cast %get3A_220 : i32 to index
        %get3A_222 = arith.index_cast %scan3A_162 : i32 to index
        %get3A_223 = arith.constant 144 : index
        %get3A_224 = tpu.vector_load %arg4[%get3A_221, %get3A_222, %get3A_223] {strides = array<i32>} : memref<2x32x1024xf32, #tpu.memory_space<vmem>>, vector<16xf32>,
        %abs3A_225 = math.absf %get3A_224 : vector<16xf32>
        %max3A_226 = arith.maximumf %max3A_198, %abs3A_225 : vector<16xf32>
        %get3A_227 = arith.constant 0 : i32
        %get3A_228 = arith.index_cast %get3A_227 : i32 to index
        %get3A_229 = arith.index_cast %scan3A_162 : i32 to index
        %get3A_230 = arith.constant 160 : index
        %get3A_231 = tpu.vector_load %arg4[%get3A_228, %get3A_229, %get3A_230] {strides = array<i32>} : memref<2x32x1024xf32, #tpu.memory_space<vmem>>, vector<16xf32>,
        %abs3A_232 = math.absf %get3A_231 : vector<16xf32>
        %max3A_233 = arith.maximumf %max3A_205, %abs3A_232 : vector<16xf32>
        %get3A_234 = arith.constant 0 : i32
        %get3A_235 = arith.index_cast %get3A_234 : i32 to index
        %get3A_236 = arith.index_cast %scan3A_162 : i32 to index
        %get3A_237 = arith.constant 176 : index
        %get3A_238 = tpu.vector_load %arg4[%get3A_235, %get3A_236, %get3A_237] {strides = array<i32>} : memref<2x32x1024xf32, #tpu.memory_space<vmem>>, vector<16xf32>,
        %abs3A_239 = math.absf %get3A_238 : vector<16xf32>
        %max3A_240 = arith.maximumf %max3A_212, %abs3A_239 : vector<16xf32>
        %get3A_241 = arith.constant 0 : i32
        %get3A_242 = arith.index_cast %get3A_241 : i32 to index
        %get3A_243 = arith.index_cast %scan3A_162 : i32 to index
        %get3A_244 = arith.constant 192 : index
        %get3A_245 = tpu.vector_load %arg4[%get3A_242, %get3A_243, %get3A_244] {strides = array<i32>} : memref<2x32x1024xf32, #tpu.memory_space<vmem>>, vector<16xf32>,
        %abs3A_246 = math.absf %get3A_245 : vector<16xf32>
        %max3A_247 = arith.maximumf %max3A_219, %abs3A_246 : vector<16xf32>
        %get3A_248 = arith.constant 0 : i32
        %get3A_249 = arith.index_cast %get3A_248 : i32 to index
        %get3A_250 = arith.index_cast %scan3A_162 : i32 to index
        %get3A_251 = arith.constant 208 : index
        %get3A_252 = tpu.vector_load %arg4[%get3A_249, %get3A_250, %get3A_251] {strides = array<i32>} : memref<2x32x1024xf32, #tpu.memory_space<vmem>>, vector<16xf32>,
        %abs3A_253 = math.absf %get3A_252 : vector<16xf32>
        %max3A_254 = arith.maximumf %max3A_226, %abs3A_253 : vector<16xf32>
        %get3A_255 = arith.constant 0 : i32
        %get3A_256 = arith.index_cast %get3A_255 : i32 to index
        %get3A_257 = arith.index_cast %scan3A_162 : i32 to index
        %get3A_258 = arith.constant 224 : index
        %get3A_259 = tpu.vector_load %arg4[%get3A_256, %get3A_257, %get3A_258] {strides = array<i32>} : memref<2x32x1024xf32, #tpu.memory_space<vmem>>, vector<16xf32>,
        %abs3A_260 = math.absf %get3A_259 : vector<16xf32>
        %max3A_261 = arith.maximumf %max3A_233, %abs3A_260 : vector<16xf32>
        %get3A_262 = arith.constant 0 : i32
        %get3A_263 = arith.index_cast %get3A_262 : i32 to index
        %get3A_264 = arith.index_cast %scan3A_162 : i32 to index
        %get3A_265 = arith.constant 240 : index
        %get3A_266 = tpu.vector_load %arg4[%get3A_263, %get3A_264, %get3A_265] {strides = array<i32>} : memref<2x32x1024xf32, #tpu.memory_space<vmem>>, vector<16xf32>,
        %abs3A_267 = math.absf %get3A_266 : vector<16xf32>
        %max3A_268 = arith.maximumf %max3A_240, %abs3A_267 : vector<16xf32>
        %get3A_269 = arith.constant 0 : i32
        %get3A_270 = arith.index_cast %get3A_269 : i32 to index
        %get3A_271 = arith.index_cast %scan3A_162 : i32 to index
        %get3A_272 = arith.constant 256 : index
        %get3A_273 = tpu.vector_load %arg4[%get3A_270, %get3A_271, %get3A_272] {strides = array<i32>} : memref<2x32x1024xf32, #tpu.memory_space<vmem>>, vector<16xf32>,
        %abs3A_274 = math.absf %get3A_273 : vector<16xf32>
        %max3A_275 = arith.maximumf %max3A_247, %abs3A_274 : vector<16xf32>
        %get3A_276 = arith.constant 0 : i32
        %get3A_277 = arith.index_cast %get3A_276 : i32 to index
        %get3A_278 = arith.index_cast %scan3A_162 : i32 to index
        %get3A_279 = arith.constant 272 : index
        %get3A_280 = tpu.vector_load %arg4[%get3A_277, %get3A_278, %get3A_279] {strides = array<i32>} : memref<2x32x1024xf32, #tpu.memory_space<vmem>>, vector<16xf32>,
        %abs3A_281 = math.absf %get3A_280 : vector<16xf32>
        %max3A_282 = arith.maximumf %max3A_254, %abs3A_281 : vector<16xf32>
        %get3A_283 = arith.constant 0 : i32
        %get3A_284 = arith.index_cast %get3A_283 : i32 to index
        %get3A_285 = arith.index_cast %scan3A_162 : i32 to index
        %get3A_286 = arith.constant 288 : index
        %get3A_287 = tpu.vector_load %arg4[%get3A_284, %get3A_285, %get3A_286] {strides = array<i32>} : memref<2x32x1024xf32, #tpu.memory_space<vmem>>, vector<16xf32>,
        %abs3A_288 = math.absf %get3A_287 : vector<16xf32>
        %max3A_289 = arith.maximumf %max3A_261, %abs3A_288 : vector<16xf32>
        %get3A_290 = arith.constant 0 : i32
        %get3A_291 = arith.index_cast %get3A_290 : i32 to index
        %get3A_292 = arith.index_cast %scan3A_162 : i32 to index
        %get3A_293 = arith.constant 304 : index
        %get3A_294 = tpu.vector_load %arg4[%get3A_291, %get3A_292, %get3A_293] {strides = array<i32>} : memref<2x32x1024xf32, #tpu.memory_space<vmem>>, vector<16xf32>,
        %abs3A_295 = math.absf %get3A_294 : vector<16xf32>
        %max3A_296 = arith.maximumf %max3A_268, %abs3A_295 : vector<16xf32>
        %get3A_297 = arith.constant 0 : i32
        %get3A_298 = arith.index_cast %get3A_297 : i32 to index
        %get3A_299 = arith.index_cast %scan3A_162 : i32 to index
        %get3A_300 = arith.constant 320 : index
        %get3A_301 = tpu.vector_load %arg4[%get3A_298, %get3A_299, %get3A_300] {strides = array<i32>} : memref<2x32x1024xf32, #tpu.memory_space<vmem>>, vector<16xf32>,
        %abs3A_302 = math.absf %get3A_301 : vector<16xf32>
        %max3A_303 = arith.maximumf %max3A_275, %abs3A_302 : vector<16xf32>
        %get3A_304 = arith.constant 0 : i32
        %get3A_305 = arith.index_cast %get3A_304 : i32 to index
        %get3A_306 = arith.index_cast %scan3A_162 : i32 to index
        %get3A_307 = arith.constant 336 : index
        %get3A_308 = tpu.vector_load %arg4[%get3A_305, %get3A_306, %get3A_307] {strides = array<i32>} : memref<2x32x1024xf32, #tpu.memory_space<vmem>>, vector<16xf32>,
        %abs3A_309 = math.absf %get3A_308 : vector<16xf32>
        %max3A_310 = arith.maximumf %max3A_282, %abs3A_309 : vector<16xf32>
        %get3A_311 = arith.constant 0 : i32
        %get3A_312 = arith.index_cast %get3A_311 : i32 to index
        %get3A_313 = arith.index_cast %scan3A_162 : i32 to index
        %get3A_314 = arith.constant 352 : index
        %get3A_315 = tpu.vector_load %arg4[%get3A_312, %get3A_313, %get3A_314] {strides = array<i32>} : memref<2x32x1024xf32, #tpu.memory_space<vmem>>, vector<16xf32>,
        %abs3A_316 = math.absf %get3A_315 : vector<16xf32>
        %max3A_317 = arith.maximumf %max3A_289, %abs3A_316 : vector<16xf32>
        %get3A_318 = arith.constant 0 : i32
        %get3A_319 = arith.index_cast %get3A_318 : i32 to index
        %get3A_320 = arith.index_cast %scan3A_162 : i32 to index
        %get3A_321 = arith.constant 368 : index
        %get3A_322 = tpu.vector_load %arg4[%get3A_319, %get3A_320, %get3A_321] {strides = array<i32>} : memref<2x32x1024xf32, #tpu.memory_space<vmem>>, vector<16xf32>,
        %abs3A_323 = math.absf %get3A_322 : vector<16xf32>
        %max3A_324 = arith.maximumf %max3A_296, %abs3A_323 : vector<16xf32>
        %get3A_325 = arith.constant 0 : i32
        %get3A_326 = arith.index_cast %get3A_325 : i32 to index
        %get3A_327 = arith.index_cast %scan3A_162 : i32 to index
        %get3A_328 = arith.constant 384 : index
        %get3A_329 = tpu.vector_load %arg4[%get3A_326, %get3A_327, %get3A_328] {strides = array<i32>} : memref<2x32x1024xf32, #tpu.memory_space<vmem>>, vector<16xf32>,
        %abs3A_330 = math.absf %get3A_329 : vector<16xf32>
        %max3A_331 = arith.maximumf %max3A_303, %abs3A_330 : vector<16xf32>
        %get3A_332 = arith.constant 0 : i32
        %get3A_333 = arith.index_cast %get3A_332 : i32 to index
        %get3A_334 = arith.index_cast %scan3A_162 : i32 to index
        %get3A_335 = arith.constant 400 : index
        %get3A_336 = tpu.vector_load %arg4[%get3A_333, %get3A_334, %get3A_335] {strides = array<i32>} : memref<2x32x1024xf32, #tpu.memory_space<vmem>>, vector<16xf32>,
        %abs3A_337 = math.absf %get3A_336 : vector<16xf32>
        %max3A_338 = arith.maximumf %max3A_310, %abs3A_337 : vector<16xf32>
        %get3A_339 = arith.constant 0 : i32
        %get3A_340 = arith.index_cast %get3A_339 : i32 to index
        %get3A_341 = arith.index_cast %scan3A_162 : i32 to index
        %get3A_342 = arith.constant 416 : index
        %get3A_343 = tpu.vector_load %arg4[%get3A_340, %get3A_341, %get3A_342] {strides = array<i32>} : memref<2x32x1024xf32, #tpu.memory_space<vmem>>, vector<16xf32>,
        %abs3A_344 = math.absf %get3A_343 : vector<16xf32>
        %max3A_345 = arith.maximumf %max3A_317, %abs3A_344 : vector<16xf32>
        %get3A_346 = arith.constant 0 : i32
        %get3A_347 = arith.index_cast %get3A_346 : i32 to index
        %get3A_348 = arith.index_cast %scan3A_162 : i32 to index
        %get3A_349 = arith.constant 432 : index
        %get3A_350 = tpu.vector_load %arg4[%get3A_347, %get3A_348, %get3A_349] {strides = array<i32>} : memref<2x32x1024xf32, #tpu.memory_space<vmem>>, vector<16xf32>,
        %abs3A_351 = math.absf %get3A_350 : vector<16xf32>
        %max3A_352 = arith.maximumf %max3A_324, %abs3A_351 : vector<16xf32>
        %get3A_353 = arith.constant 0 : i32
        %get3A_354 = arith.index_cast %get3A_353 : i32 to index
        %get3A_355 = arith.index_cast %scan3A_162 : i32 to index
        %get3A_356 = arith.constant 448 : index
        %get3A_357 = tpu.vector_load %arg4[%get3A_354, %get3A_355, %get3A_356] {strides = array<i32>} : memref<2x32x1024xf32, #tpu.memory_space<vmem>>, vector<16xf32>,
        %abs3A_358 = math.absf %get3A_357 : vector<16xf32>
        %max3A_359 = arith.maximumf %max3A_331, %abs3A_358 : vector<16xf32>
        %get3A_360 = arith.constant 0 : i32
        %get3A_361 = arith.index_cast %get3A_360 : i32 to index
        %get3A_362 = arith.index_cast %scan3A_162 : i32 to index
        %get3A_363 = arith.constant 464 : index
        %get3A_364 = tpu.vector_load %arg4[%get3A_361, %get3A_362, %get3A_363] {strides = array<i32>} : memref<2x32x1024xf32, #tpu.memory_space<vmem>>, vector<16xf32>,
        %abs3A_365 = math.absf %get3A_364 : vector<16xf32>
        %max3A_366 = arith.maximumf %max3A_338, %abs3A_365 : vector<16xf32>
        %get3A_367 = arith.constant 0 : i32
        %get3A_368 = arith.index_cast %get3A_367 : i32 to index
        %get3A_369 = arith.index_cast %scan3A_162 : i32 to index
        %get3A_370 = arith.constant 480 : index
        %get3A_371 = tpu.vector_load %arg4[%get3A_368, %get3A_369, %get3A_370] {strides = array<i32>} : memref<2x32x1024xf32, #tpu.memory_space<vmem>>, vector<16xf32>,
        %abs3A_372 = math.absf %get3A_371 : vector<16xf32>
        %max3A_373 = arith.maximumf %max3A_345, %abs3A_372 : vector<16xf32>
        %get3A_374 = arith.constant 0 : i32
        %get3A_375 = arith.index_cast %get3A_374 : i32 to index
        %get3A_376 = arith.index_cast %scan3A_162 : i32 to index
        %get3A_377 = arith.constant 496 : index
        %get3A_378 = tpu.vector_load %arg4[%get3A_375, %get3A_376, %get3A_377] {strides = array<i32>} : memref<2x32x1024xf32, #tpu.memory_space<vmem>>, vector<16xf32>,
        %abs3A_379 = math.absf %get3A_378 : vector<16xf32>
        %max3A_380 = arith.maximumf %max3A_352, %abs3A_379 : vector<16xf32>
        %get3A_381 = arith.constant 0 : i32
        %get3A_382 = arith.index_cast %get3A_381 : i32 to index
        %get3A_383 = arith.index_cast %scan3A_162 : i32 to index
        %get3A_384 = arith.constant 512 : index
        %get3A_385 = tpu.vector_load %arg4[%get3A_382, %get3A_383, %get3A_384] {strides = array<i32>} : memref<2x32x1024xf32, #tpu.memory_space<vmem>>, vector<16xf32>,
        %abs3A_386 = math.absf %get3A_385 : vector<16xf32>
        %max3A_387 = arith.maximumf %max3A_359, %abs3A_386 : vector<16xf32>
        %get3A_388 = arith.constant 0 : i32
        %get3A_389 = arith.index_cast %get3A_388 : i32 to index
        %get3A_390 = arith.index_cast %scan3A_162 : i32 to index
        %get3A_391 = arith.constant 528 : index
        %get3A_392 = tpu.vector_load %arg4[%get3A_389, %get3A_390, %get3A_391] {strides = array<i32>} : memref<2x32x1024xf32, #tpu.memory_space<vmem>>, vector<16xf32>,
        %abs3A_393 = math.absf %get3A_392 : vector<16xf32>
        %max3A_394 = arith.maximumf %max3A_366, %abs3A_393 : vector<16xf32>
        %get3A_395 = arith.constant 0 : i32
        %get3A_396 = arith.index_cast %get3A_395 : i32 to index
        %get3A_397 = arith.index_cast %scan3A_162 : i32 to index
        %get3A_398 = arith.constant 544 : index
        %get3A_399 = tpu.vector_load %arg4[%get3A_396, %get3A_397, %get3A_398] {strides = array<i32>} : memref<2x32x1024xf32, #tpu.memory_space<vmem>>, vector<16xf32>,
        %abs3A_400 = math.absf %get3A_399 : vector<16xf32>
        %max3A_401 = arith.maximumf %max3A_373, %abs3A_400 : vector<16xf32>
        %get3A_402 = arith.constant 0 : i32
        %get3A_403 = arith.index_cast %get3A_402 : i32 to index
        %get3A_404 = arith.index_cast %scan3A_162 : i32 to index
        %get3A_405 = arith.constant 560 : index
        %get3A_406 = tpu.vector_load %arg4[%get3A_403, %get3A_404, %get3A_405] {strides = array<i32>} : memref<2x32x1024xf32, #tpu.memory_space<vmem>>, vector<16xf32>,
        %abs3A_407 = math.absf %get3A_406 : vector<16xf32>
        %max3A_408 = arith.maximumf %max3A_380, %abs3A_407 : vector<16xf32>
        %get3A_409 = arith.constant 0 : i32
        %get3A_410 = arith.index_cast %get3A_409 : i32 to index
        %get3A_411 = arith.index_cast %scan3A_162 : i32 to index
        %get3A_412 = arith.constant 576 : index
        %get3A_413 = tpu.vector_load %arg4[%get3A_410, %get3A_411, %get3A_412] {strides = array<i32>} : memref<2x32x1024xf32, #tpu.memory_space<vmem>>, vector<16xf32>,
        %abs3A_414 = math.absf %get3A_413 : vector<16xf32>
        %max3A_415 = arith.maximumf %max3A_387, %abs3A_414 : vector<16xf32>
        %get3A_416 = arith.constant 0 : i32
        %get3A_417 = arith.index_cast %get3A_416 : i32 to index
        %get3A_418 = arith.index_cast %scan3A_162 : i32 to index
        %get3A_419 = arith.constant 592 : index
        %get3A_420 = tpu.vector_load %arg4[%get3A_417, %get3A_418, %get3A_419] {strides = array<i32>} : memref<2x32x1024xf32, #tpu.memory_space<vmem>>, vector<16xf32>,
        %abs3A_421 = math.absf %get3A_420 : vector<16xf32>
        %max3A_422 = arith.maximumf %max3A_394, %abs3A_421 : vector<16xf32>
        %get3A_423 = arith.constant 0 : i32
        %get3A_424 = arith.index_cast %get3A_423 : i32 to index
        %get3A_425 = arith.index_cast %scan3A_162 : i32 to index
        %get3A_426 = arith.constant 608 : index
        %get3A_427 = tpu.vector_load %arg4[%get3A_424, %get3A_425, %get3A_426] {strides = array<i32>} : memref<2x32x1024xf32, #tpu.memory_space<vmem>>, vector<16xf32>,
        %abs3A_428 = math.absf %get3A_427 : vector<16xf32>
        %max3A_429 = arith.maximumf %max3A_401, %abs3A_428 : vector<16xf32>
        %get3A_430 = arith.constant 0 : i32
        %get3A_431 = arith.index_cast %get3A_430 : i32 to index
        %get3A_432 = arith.index_cast %scan3A_162 : i32 to index
        %get3A_433 = arith.constant 624 : index
        %get3A_434 = tpu.vector_load %arg4[%get3A_431, %get3A_432, %get3A_433] {strides = array<i32>} : memref<2x32x1024xf32, #tpu.memory_space<vmem>>, vector<16xf32>,
        %abs3A_435 = math.absf %get3A_434 : vector<16xf32>
        %max3A_436 = arith.maximumf %max3A_408, %abs3A_435 : vector<16xf32>
        %get3A_437 = arith.constant 0 : i32
        %get3A_438 = arith.index_cast %get3A_437 : i32 to index
        %get3A_439 = arith.index_cast %scan3A_162 : i32 to index
        %get3A_440 = arith.constant 640 : index
        %get3A_441 = tpu.vector_load %arg4[%get3A_438, %get3A_439, %get3A_440] {strides = array<i32>} : memref<2x32x1024xf32, #tpu.memory_space<vmem>>, vector<16xf32>,
        %abs3A_442 = math.absf %get3A_441 : vector<16xf32>
        %max3A_443 = arith.maximumf %max3A_415, %abs3A_442 : vector<16xf32>
        %get3A_444 = arith.constant 0 : i32
        %get3A_445 = arith.index_cast %get3A_444 : i32 to index
        %get3A_446 = arith.index_cast %scan3A_162 : i32 to index
        %get3A_447 = arith.constant 656 : index
        %get3A_448 = tpu.vector_load %arg4[%get3A_445, %get3A_446, %get3A_447] {strides = array<i32>} : memref<2x32x1024xf32, #tpu.memory_space<vmem>>, vector<16xf32>,
        %abs3A_449 = math.absf %get3A_448 : vector<16xf32>
        %max3A_450 = arith.maximumf %max3A_422, %abs3A_449 : vector<16xf32>
        %get3A_451 = arith.constant 0 : i32
        %get3A_452 = arith.index_cast %get3A_451 : i32 to index
        %get3A_453 = arith.index_cast %scan3A_162 : i32 to index
        %get3A_454 = arith.constant 672 : index
        %get3A_455 = tpu.vector_load %arg4[%get3A_452, %get3A_453, %get3A_454] {strides = array<i32>} : memref<2x32x1024xf32, #tpu.memory_space<vmem>>, vector<16xf32>,
        %abs3A_456 = math.absf %get3A_455 : vector<16xf32>
        %max3A_457 = arith.maximumf %max3A_429, %abs3A_456 : vector<16xf32>
        %get3A_458 = arith.constant 0 : i32
        %get3A_459 = arith.index_cast %get3A_458 : i32 to index
        %get3A_460 = arith.index_cast %scan3A_162 : i32 to index
        %get3A_461 = arith.constant 688 : index
        %get3A_462 = tpu.vector_load %arg4[%get3A_459, %get3A_460, %get3A_461] {strides = array<i32>} : memref<2x32x1024xf32, #tpu.memory_space<vmem>>, vector<16xf32>,
        %abs3A_463 = math.absf %get3A_462 : vector<16xf32>
        %max3A_464 = arith.maximumf %max3A_436, %abs3A_463 : vector<16xf32>
        %get3A_465 = arith.constant 0 : i32
        %get3A_466 = arith.index_cast %get3A_465 : i32 to index
        %get3A_467 = arith.index_cast %scan3A_162 : i32 to index
        %get3A_468 = arith.constant 704 : index
        %get3A_469 = tpu.vector_load %arg4[%get3A_466, %get3A_467, %get3A_468] {strides = array<i32>} : memref<2x32x1024xf32, #tpu.memory_space<vmem>>, vector<16xf32>,
        %abs3A_470 = math.absf %get3A_469 : vector<16xf32>
        %max3A_471 = arith.maximumf %max3A_443, %abs3A_470 : vector<16xf32>
        %get3A_472 = arith.constant 0 : i32
        %get3A_473 = arith.index_cast %get3A_472 : i32 to index
        %get3A_474 = arith.index_cast %scan3A_162 : i32 to index
        %get3A_475 = arith.constant 720 : index
        %get3A_476 = tpu.vector_load %arg4[%get3A_473, %get3A_474, %get3A_475] {strides = array<i32>} : memref<2x32x1024xf32, #tpu.memory_space<vmem>>, vector<16xf32>,
        %abs3A_477 = math.absf %get3A_476 : vector<16xf32>
        %max3A_478 = arith.maximumf %max3A_450, %abs3A_477 : vector<16xf32>
        %get3A_479 = arith.constant 0 : i32
        %get3A_480 = arith.index_cast %get3A_479 : i32 to index
        %get3A_481 = arith.index_cast %scan3A_162 : i32 to index
        %get3A_482 = arith.constant 736 : index
        %get3A_483 = tpu.vector_load %arg4[%get3A_480, %get3A_481, %get3A_482] {strides = array<i32>} : memref<2x32x1024xf32, #tpu.memory_space<vmem>>, vector<16xf32>,
        %abs3A_484 = math.absf %get3A_483 : vector<16xf32>
        %max3A_485 = arith.maximumf %max3A_457, %abs3A_484 : vector<16xf32>
        %get3A_486 = arith.constant 0 : i32
        %get3A_487 = arith.index_cast %get3A_486 : i32 to index
        %get3A_488 = arith.index_cast %scan3A_162 : i32 to index
        %get3A_489 = arith.constant 752 : index
        %get3A_490 = tpu.vector_load %arg4[%get3A_487, %get3A_488, %get3A_489] {strides = array<i32>} : memref<2x32x1024xf32, #tpu.memory_space<vmem>>, vector<16xf32>,
        %abs3A_491 = math.absf %get3A_490 : vector<16xf32>
        %max3A_492 = arith.maximumf %max3A_464, %abs3A_491 : vector<16xf32>
        %get3A_493 = arith.constant 0 : i32
        %get3A_494 = arith.index_cast %get3A_493 : i32 to index
        %get3A_495 = arith.index_cast %scan3A_162 : i32 to index
        %get3A_496 = arith.constant 768 : index
        %get3A_497 = tpu.vector_load %arg4[%get3A_494, %get3A_495, %get3A_496] {strides = array<i32>} : memref<2x32x1024xf32, #tpu.memory_space<vmem>>, vector<16xf32>,
        %abs3A_498 = math.absf %get3A_497 : vector<16xf32>
        %max3A_499 = arith.maximumf %max3A_471, %abs3A_498 : vector<16xf32>
        %get3A_500 = arith.constant 0 : i32
        %get3A_501 = arith.index_cast %get3A_500 : i32 to index
        %get3A_502 = arith.index_cast %scan3A_162 : i32 to index
        %get3A_503 = arith.constant 784 : index
        %get3A_504 = tpu.vector_load %arg4[%get3A_501, %get3A_502, %get3A_503] {strides = array<i32>} : memref<2x32x1024xf32, #tpu.memory_space<vmem>>, vector<16xf32>,
        %abs3A_505 = math.absf %get3A_504 : vector<16xf32>
        %max3A_506 = arith.maximumf %max3A_478, %abs3A_505 : vector<16xf32>
        %get3A_507 = arith.constant 0 : i32
        %get3A_508 = arith.index_cast %get3A_507 : i32 to index
        %get3A_509 = arith.index_cast %scan3A_162 : i32 to index
        %get3A_510 = arith.constant 800 : index
        %get3A_511 = tpu.vector_load %arg4[%get3A_508, %get3A_509, %get3A_510] {strides = array<i32>} : memref<2x32x1024xf32, #tpu.memory_space<vmem>>, vector<16xf32>,
        %abs3A_512 = math.absf %get3A_511 : vector<16xf32>
        %max3A_513 = arith.maximumf %max3A_485, %abs3A_512 : vector<16xf32>
        %get3A_514 = arith.constant 0 : i32
        %get3A_515 = arith.index_cast %get3A_514 : i32 to index
        %get3A_516 = arith.index_cast %scan3A_162 : i32 to index
        %get3A_517 = arith.constant 816 : index
        %get3A_518 = tpu.vector_load %arg4[%get3A_515, %get3A_516, %get3A_517] {strides = array<i32>} : memref<2x32x1024xf32, #tpu.memory_space<vmem>>, vector<16xf32>,
        %abs3A_519 = math.absf %get3A_518 : vector<16xf32>
        %max3A_520 = arith.maximumf %max3A_492, %abs3A_519 : vector<16xf32>
        %get3A_521 = arith.constant 0 : i32
        %get3A_522 = arith.index_cast %get3A_521 : i32 to index
        %get3A_523 = arith.index_cast %scan3A_162 : i32 to index
        %get3A_524 = arith.constant 832 : index
        %get3A_525 = tpu.vector_load %arg4[%get3A_522, %get3A_523, %get3A_524] {strides = array<i32>} : memref<2x32x1024xf32, #tpu.memory_space<vmem>>, vector<16xf32>,
        %abs3A_526 = math.absf %get3A_525 : vector<16xf32>
        %max3A_527 = arith.maximumf %max3A_499, %abs3A_526 : vector<16xf32>
        %get3A_528 = arith.constant 0 : i32
        %get3A_529 = arith.index_cast %get3A_528 : i32 to index
        %get3A_530 = arith.index_cast %scan3A_162 : i32 to index
        %get3A_531 = arith.constant 848 : index
        %get3A_532 = tpu.vector_load %arg4[%get3A_529, %get3A_530, %get3A_531] {strides = array<i32>} : memref<2x32x1024xf32, #tpu.memory_space<vmem>>, vector<16xf32>,
        %abs3A_533 = math.absf %get3A_532 : vector<16xf32>
        %max3A_534 = arith.maximumf %max3A_506, %abs3A_533 : vector<16xf32>
        %get3A_535 = arith.constant 0 : i32
        %get3A_536 = arith.index_cast %get3A_535 : i32 to index
        %get3A_537 = arith.index_cast %scan3A_162 : i32 to index
        %get3A_538 = arith.constant 864 : index
        %get3A_539 = tpu.vector_load %arg4[%get3A_536, %get3A_537, %get3A_538] {strides = array<i32>} : memref<2x32x1024xf32, #tpu.memory_space<vmem>>, vector<16xf32>,
        %abs3A_540 = math.absf %get3A_539 : vector<16xf32>
        %max3A_541 = arith.maximumf %max3A_513, %abs3A_540 : vector<16xf32>
        %get3A_542 = arith.constant 0 : i32
        %get3A_543 = arith.index_cast %get3A_542 : i32 to index
        %get3A_544 = arith.index_cast %scan3A_162 : i32 to index
        %get3A_545 = arith.constant 880 : index
        %get3A_546 = tpu.vector_load %arg4[%get3A_543, %get3A_544, %get3A_545] {strides = array<i32>} : memref<2x32x1024xf32, #tpu.memory_space<vmem>>, vector<16xf32>,
        %abs3A_547 = math.absf %get3A_546 : vector<16xf32>
        %max3A_548 = arith.maximumf %max3A_520, %abs3A_547 : vector<16xf32>
        %get3A_549 = arith.constant 0 : i32
        %get3A_550 = arith.index_cast %get3A_549 : i32 to index
        %get3A_551 = arith.index_cast %scan3A_162 : i32 to index
        %get3A_552 = arith.constant 896 : index
        %get3A_553 = tpu.vector_load %arg4[%get3A_550, %get3A_551, %get3A_552] {strides = array<i32>} : memref<2x32x1024xf32, #tpu.memory_space<vmem>>, vector<16xf32>,
        %abs3A_554 = math.absf %get3A_553 : vector<16xf32>
        %max3A_555 = arith.maximumf %max3A_527, %abs3A_554 : vector<16xf32>
        %get3A_556 = arith.constant 0 : i32
        %get3A_557 = arith.index_cast %get3A_556 : i32 to index
        %get3A_558 = arith.index_cast %scan3A_162 : i32 to index
        %get3A_559 = arith.constant 912 : index
        %get3A_560 = tpu.vector_load %arg4[%get3A_557, %get3A_558, %get3A_559] {strides = array<i32>} : memref<2x32x1024xf32, #tpu.memory_space<vmem>>, vector<16xf32>,
        %abs3A_561 = math.absf %get3A_560 : vector<16xf32>
        %max3A_562 = arith.maximumf %max3A_534, %abs3A_561 : vector<16xf32>
        %get3A_563 = arith.constant 0 : i32
        %get3A_564 = arith.index_cast %get3A_563 : i32 to index
        %get3A_565 = arith.index_cast %scan3A_162 : i32 to index
        %get3A_566 = arith.constant 928 : index
        %get3A_567 = tpu.vector_load %arg4[%get3A_564, %get3A_565, %get3A_566] {strides = array<i32>} : memref<2x32x1024xf32, #tpu.memory_space<vmem>>, vector<16xf32>,
        %abs3A_568 = math.absf %get3A_567 : vector<16xf32>
        %max3A_569 = arith.maximumf %max3A_541, %abs3A_568 : vector<16xf32>
        %get3A_570 = arith.constant 0 : i32
        %get3A_571 = arith.index_cast %get3A_570 : i32 to index
        %get3A_572 = arith.index_cast %scan3A_162 : i32 to index
        %get3A_573 = arith.constant 944 : index
        %get3A_574 = tpu.vector_load %arg4[%get3A_571, %get3A_572, %get3A_573] {strides = array<i32>} : memref<2x32x1024xf32, #tpu.memory_space<vmem>>, vector<16xf32>,
        %abs3A_575 = math.absf %get3A_574 : vector<16xf32>
        %max3A_576 = arith.maximumf %max3A_548, %abs3A_575 : vector<16xf32>
        %get3A_577 = arith.constant 0 : i32
        %get3A_578 = arith.index_cast %get3A_577 : i32 to index
        %get3A_579 = arith.index_cast %scan3A_162 : i32 to index
        %get3A_580 = arith.constant 960 : index
        %get3A_581 = tpu.vector_load %arg4[%get3A_578, %get3A_579, %get3A_580] {strides = array<i32>} : memref<2x32x1024xf32, #tpu.memory_space<vmem>>, vector<16xf32>,
        %abs3A_582 = math.absf %get3A_581 : vector<16xf32>
        %max3A_583 = arith.maximumf %max3A_555, %abs3A_582 : vector<16xf32>
        %get3A_584 = arith.constant 0 : i32
        %get3A_585 = arith.index_cast %get3A_584 : i32 to index
        %get3A_586 = arith.index_cast %scan3A_162 : i32 to index
        %get3A_587 = arith.constant 976 : index
        %get3A_588 = tpu.vector_load %arg4[%get3A_585, %get3A_586, %get3A_587] {strides = array<i32>} : memref<2x32x1024xf32, #tpu.memory_space<vmem>>, vector<16xf32>,
        %abs3A_589 = math.absf %get3A_588 : vector<16xf32>
        %max3A_590 = arith.maximumf %max3A_562, %abs3A_589 : vector<16xf32>
        %get3A_591 = arith.constant 0 : i32
        %get3A_592 = arith.index_cast %get3A_591 : i32 to index
        %get3A_593 = arith.index_cast %scan3A_162 : i32 to index
        %get3A_594 = arith.constant 992 : index
        %get3A_595 = tpu.vector_load %arg4[%get3A_592, %get3A_593, %get3A_594] {strides = array<i32>} : memref<2x32x1024xf32, #tpu.memory_space<vmem>>, vector<16xf32>,
        %abs3A_596 = math.absf %get3A_595 : vector<16xf32>
        %max3A_597 = arith.maximumf %max3A_569, %abs3A_596 : vector<16xf32>
        %get3A_598 = arith.constant 0 : i32
        %get3A_599 = arith.index_cast %get3A_598 : i32 to index
        %get3A_600 = arith.index_cast %scan3A_162 : i32 to index
        %get3A_601 = arith.constant 1008 : index
        %get3A_602 = tpu.vector_load %arg4[%get3A_599, %get3A_600, %get3A_601] {strides = array<i32>} : memref<2x32x1024xf32, #tpu.memory_space<vmem>>, vector<16xf32>,
        %abs3A_603 = math.absf %get3A_602 : vector<16xf32>
        %max3A_604 = arith.maximumf %max3A_576, %abs3A_603 : vector<16xf32>
        %max3A_605 = arith.maximumf %max3A_583, %max3A_590 : vector<16xf32>
        %max3A_606 = arith.maximumf %max3A_597, %max3A_604 : vector<16xf32>
        %max3A_607 = arith.maximumf %max3A_605, %max3A_606 : vector<16xf32>
        %gt3A = arith.constant 0.000000e+00 : f32
        %gt3A_608 = vector.broadcast %gt3A : f32 to vector<16xf32>
        %gt3A_609 = arith.cmpf ogt, %max3A_607, %gt3A_608 : vector<16xf32>
        %all_reduce_population_count3A = tpu.all_reduce %gt3A_609 {dim = 0 : i64, kind = #tpu.reduction_kind<sum>} : vector<16xi1> -> vector<16xi32>
        %min3A = arith.minsi %all_reduce_population_count3A, %broadcast_in_dim3A_67 : vector<16xi32>
        %add3A_610 = arith.addi %scan3A_163, %min3A : vector<16xi32>
        scf.yield %add3A_610 : vector<16xi32>
      }
      %scan3A_121 = arith.constant 32 : i32
      %add3A_122 = arith.constant 2 : i32
      %add3A_123 = arith.addi %add3A_100, %add3A_122 : i32
      %lt3A_124 = arith.constant 4 : i32
      %lt3A_125 = arith.cmpi slt, %add3A_123, %lt3A_124 : i32
      %convert_element_type3A_126 = arith.extui %lt3A_125 : i1 to i32
      %cond3A_127 = arith.constant 0 : i32
      %cond3A_128 = arith.cmpi ne, %convert_element_type3A_126, %cond3A_127 : i32
      scf.if %cond3A_128 {
        %add3A_162 = arith.constant 2 : i32
        %add3A_163 = arith.addi %add3A_100, %add3A_162 : i32
        %mul3A_164 = arith.constant 32 : i32
        %mul3A_165 = arith.muli %add3A_163, %mul3A_164 : i32
        %add3A_166 = arith.addi %add3A_37, %mul3A_165 : i32
        %dma_start3A_167 = arith.constant 0 : i32
        %dma_start3A_168 = arith.constant 0 : i32
        %dma_start3A_169 = arith.constant 0 : i32
        %dma_start3A_170 = tpu.memref_slice %arg4[%dma_start3A_167, %dma_start3A_168, %dma_start3A_169] : memref<2x32x1024xf32, #tpu.memory_space<vmem>> -> memref<1x32x1024xf32, #tpu.memory_space<vmem>>
        %dma_start3A_171 = tpu.memref_squeeze %dma_start3A_170 : memref<1x32x1024xf32, #tpu.memory_space<vmem>> -> memref<32x1024xf32, #tpu.memory_space<vmem>>
        %dma_start3A_172 = arith.constant 0 : i32
        %dma_start3A_173 = tpu.memref_slice %arg2[%add3A_166, %dma_start3A_172] : memref<32768x1024xf32, #tpu.memory_space<hbm>> -> memref<32x1024xf32, #tpu.memory_space<hbm>>
        %dma_start3A_174 = arith.constant 0 : i32
        %dma_start3A_175 = arith.constant 0 : i32
        %dma_start3A_176 = tpu.memref_slice %arg4[%dma_start3A_167, %dma_start3A_174, %dma_start3A_175] : memref<2x32x1024xf32, #tpu.memory_space<vmem>> -> memref<1x32x1024xf32, #tpu.memory_space<vmem>>
        %dma_start3A_177 = tpu.memref_squeeze %dma_start3A_176 : memref<1x32x1024xf32, #tpu.memory_space<vmem>> -> memref<32x1024xf32, #tpu.memory_space<vmem>>
        %dma_start3A_178 = arith.constant 0 : i32
        %dma_start3A_179 = tpu.memref_slice %arg2[%add3A_166, %dma_start3A_178] : memref<32768x1024xf32, #tpu.memory_space<hbm>> -> memref<32x1024xf32, #tpu.memory_space<hbm>>
        tpu.enqueue_dma source(%dma_start3A_179 : memref<32x1024xf32, #tpu.memory_space<hbm>>) target(%dma_start3A_177 : memref<32x1024xf32, #tpu.memory_space<vmem>>) target_semaphore(%arg9 : memref<!tpu.dma_semaphore, #tpu.memory_space<semaphore_mem>>)
      } else {
      }
      %mul3A_129 = arith.constant 2 : i32
      %mul3A_130 = arith.muli %mul3A_129, %scan3A_95 : i32
      %add3A_131 = arith.constant 1 : i32
      %add3A_132 = arith.addi %mul3A_130, %add3A_131 : i32
      %mul3A_133 = arith.constant 32 : i32
      %mul3A_134 = arith.muli %add3A_132, %mul3A_133 : i32
      %add3A_135 = arith.addi %add3A_37, %mul3A_134 : i32
      %dma_wait3A_136 = arith.constant 1 : i32
      %dma_wait3A_137 = arith.constant 0 : i32
      %dma_wait3A_138 = arith.constant 0 : i32
      %dma_wait3A_139 = tpu.memref_slice %arg4[%dma_wait3A_136, %dma_wait3A_137, %dma_wait3A_138] : memref<2x32x1024xf32, #tpu.memory_space<vmem>> -> memref<1x32x1024xf32, #tpu.memory_space<vmem>>
      %dma_wait3A_140 = tpu.memref_squeeze %dma_wait3A_139 : memref<1x32x1024xf32, #tpu.memory_space<vmem>> -> memref<32x1024xf32, #tpu.memory_space<vmem>>
      %dma_wait3A_141 = arith.constant 0 : i32
      %dma_wait3A_142 = tpu.memref_slice %arg2[%add3A_135, %dma_wait3A_141] : memref<32768x1024xf32, #tpu.memory_space<hbm>> -> memref<32x1024xf32, #tpu.memory_space<hbm>>
      %dma_wait3A_143 = arith.constant 0 : i32
      %dma_wait3A_144 = arith.constant 0 : i32
      %dma_wait3A_145 = tpu.memref_slice %arg4[%dma_wait3A_136, %dma_wait3A_143, %dma_wait3A_144] : memref<2x32x1024xf32, #tpu.memory_space<vmem>> -> memref<1x32x1024xf32, #tpu.memory_space<vmem>>
      %dma_wait3A_146 = tpu.memref_squeeze %dma_wait3A_145 : memref<1x32x1024xf32, #tpu.memory_space<vmem>> -> memref<32x1024xf32, #tpu.memory_space<vmem>>
      %dma_wait3A_147 = arith.constant 0 : i32
      %dma_wait3A_148 = tpu.memref_slice %arg2[%add3A_135, %dma_wait3A_147] : memref<32768x1024xf32, #tpu.memory_space<hbm>> -> memref<32x1024xf32, #tpu.memory_space<hbm>>
      tpu.wait_dma2 semaphore(%arg10 : memref<!tpu.dma_semaphore, #tpu.memory_space<semaphore_mem>>) src(%dma_wait3A_148 : memref<32x1024xf32, #tpu.memory_space<hbm>>) dst(%dma_wait3A_146 : memref<32x1024xf32, #tpu.memory_space<vmem>>)
      %scan3A_149 = arith.constant 0 : i32
      %scan3A_150 = arith.constant 32 : i32
      %scan3A_151 = arith.addi %scan3A_149, %scan3A_150 : i32
      %scan3A_152 = arith.constant 1 : i32
      %scan3A_153 = scf.for %scan3A_162 = %scan3A_149 to %scan3A_151 step %scan3A_152 iter_args(%scan3A_163 = %scan3A_120) -> (vector<16xi32>)  : i32 {
        %get3A = arith.constant 1 : i32
        %get3A_164 = arith.index_cast %get3A : i32 to index
        %get3A_165 = arith.index_cast %scan3A_162 : i32 to index
        %get3A_166 = arith.constant 0 : index
        %get3A_167 = tpu.vector_load %arg4[%get3A_164, %get3A_165, %get3A_166] {strides = array<i32>} : memref<2x32x1024xf32, #tpu.memory_space<vmem>>, vector<16xf32>,
        %abs3A = math.absf %get3A_167 : vector<16xf32>
        %get3A_168 = arith.constant 1 : i32
        %get3A_169 = arith.index_cast %get3A_168 : i32 to index
        %get3A_170 = arith.index_cast %scan3A_162 : i32 to index
        %get3A_171 = arith.constant 16 : index
        %get3A_172 = tpu.vector_load %arg4[%get3A_169, %get3A_170, %get3A_171] {strides = array<i32>} : memref<2x32x1024xf32, #tpu.memory_space<vmem>>, vector<16xf32>,
        %abs3A_173 = math.absf %get3A_172 : vector<16xf32>
        %get3A_174 = arith.constant 1 : i32
        %get3A_175 = arith.index_cast %get3A_174 : i32 to index
        %get3A_176 = arith.index_cast %scan3A_162 : i32 to index
        %get3A_177 = arith.constant 32 : index
        %get3A_178 = tpu.vector_load %arg4[%get3A_175, %get3A_176, %get3A_177] {strides = array<i32>} : memref<2x32x1024xf32, #tpu.memory_space<vmem>>, vector<16xf32>,
        %abs3A_179 = math.absf %get3A_178 : vector<16xf32>
        %get3A_180 = arith.constant 1 : i32
        %get3A_181 = arith.index_cast %get3A_180 : i32 to index
        %get3A_182 = arith.index_cast %scan3A_162 : i32 to index
        %get3A_183 = arith.constant 48 : index
        %get3A_184 = tpu.vector_load %arg4[%get3A_181, %get3A_182, %get3A_183] {strides = array<i32>} : memref<2x32x1024xf32, #tpu.memory_space<vmem>>, vector<16xf32>,
        %abs3A_185 = math.absf %get3A_184 : vector<16xf32>
        %get3A_186 = arith.constant 1 : i32
        %get3A_187 = arith.index_cast %get3A_186 : i32 to index
        %get3A_188 = arith.index_cast %scan3A_162 : i32 to index
        %get3A_189 = arith.constant 64 : index
        %get3A_190 = tpu.vector_load %arg4[%get3A_187, %get3A_188, %get3A_189] {strides = array<i32>} : memref<2x32x1024xf32, #tpu.memory_space<vmem>>, vector<16xf32>,
        %abs3A_191 = math.absf %get3A_190 : vector<16xf32>
        %max3A = arith.maximumf %abs3A, %abs3A_191 : vector<16xf32>
        %get3A_192 = arith.constant 1 : i32
        %get3A_193 = arith.index_cast %get3A_192 : i32 to index
        %get3A_194 = arith.index_cast %scan3A_162 : i32 to index
        %get3A_195 = arith.constant 80 : index
        %get3A_196 = tpu.vector_load %arg4[%get3A_193, %get3A_194, %get3A_195] {strides = array<i32>} : memref<2x32x1024xf32, #tpu.memory_space<vmem>>, vector<16xf32>,
        %abs3A_197 = math.absf %get3A_196 : vector<16xf32>
        %max3A_198 = arith.maximumf %abs3A_173, %abs3A_197 : vector<16xf32>
        %get3A_199 = arith.constant 1 : i32
        %get3A_200 = arith.index_cast %get3A_199 : i32 to index
        %get3A_201 = arith.index_cast %scan3A_162 : i32 to index
        %get3A_202 = arith.constant 96 : index
        %get3A_203 = tpu.vector_load %arg4[%get3A_200, %get3A_201, %get3A_202] {strides = array<i32>} : memref<2x32x1024xf32, #tpu.memory_space<vmem>>, vector<16xf32>,
        %abs3A_204 = math.absf %get3A_203 : vector<16xf32>
        %max3A_205 = arith.maximumf %abs3A_179, %abs3A_204 : vector<16xf32>
        %get3A_206 = arith.constant 1 : i32
        %get3A_207 = arith.index_cast %get3A_206 : i32 to index
        %get3A_208 = arith.index_cast %scan3A_162 : i32 to index
        %get3A_209 = arith.constant 112 : index
        %get3A_210 = tpu.vector_load %arg4[%get3A_207, %get3A_208, %get3A_209] {strides = array<i32>} : memref<2x32x1024xf32, #tpu.memory_space<vmem>>, vector<16xf32>,
        %abs3A_211 = math.absf %get3A_210 : vector<16xf32>
        %max3A_212 = arith.maximumf %abs3A_185, %abs3A_211 : vector<16xf32>
        %get3A_213 = arith.constant 1 : i32
        %get3A_214 = arith.index_cast %get3A_213 : i32 to index
        %get3A_215 = arith.index_cast %scan3A_162 : i32 to index
        %get3A_216 = arith.constant 128 : index
        %get3A_217 = tpu.vector_load %arg4[%get3A_214, %get3A_215, %get3A_216] {strides = array<i32>} : memref<2x32x1024xf32, #tpu.memory_space<vmem>>, vector<16xf32>,
        %abs3A_218 = math.absf %get3A_217 : vector<16xf32>
        %max3A_219 = arith.maximumf %max3A, %abs3A_218 : vector<16xf32>
        %get3A_220 = arith.constant 1 : i32
        %get3A_221 = arith.index_cast %get3A_220 : i32 to index
        %get3A_222 = arith.index_cast %scan3A_162 : i32 to index
        %get3A_223 = arith.constant 144 : index
        %get3A_224 = tpu.vector_load %arg4[%get3A_221, %get3A_222, %get3A_223] {strides = array<i32>} : memref<2x32x1024xf32, #tpu.memory_space<vmem>>, vector<16xf32>,
        %abs3A_225 = math.absf %get3A_224 : vector<16xf32>
        %max3A_226 = arith.maximumf %max3A_198, %abs3A_225 : vector<16xf32>
        %get3A_227 = arith.constant 1 : i32
        %get3A_228 = arith.index_cast %get3A_227 : i32 to index
        %get3A_229 = arith.index_cast %scan3A_162 : i32 to index
        %get3A_230 = arith.constant 160 : index
        %get3A_231 = tpu.vector_load %arg4[%get3A_228, %get3A_229, %get3A_230] {strides = array<i32>} : memref<2x32x1024xf32, #tpu.memory_space<vmem>>, vector<16xf32>,
        %abs3A_232 = math.absf %get3A_231 : vector<16xf32>
        %max3A_233 = arith.maximumf %max3A_205, %abs3A_232 : vector<16xf32>
        %get3A_234 = arith.constant 1 : i32
        %get3A_235 = arith.index_cast %get3A_234 : i32 to index
        %get3A_236 = arith.index_cast %scan3A_162 : i32 to index
        %get3A_237 = arith.constant 176 : index
        %get3A_238 = tpu.vector_load %arg4[%get3A_235, %get3A_236, %get3A_237] {strides = array<i32>} : memref<2x32x1024xf32, #tpu.memory_space<vmem>>, vector<16xf32>,
        %abs3A_239 = math.absf %get3A_238 : vector<16xf32>
        %max3A_240 = arith.maximumf %max3A_212, %abs3A_239 : vector<16xf32>
        %get3A_241 = arith.constant 1 : i32
        %get3A_242 = arith.index_cast %get3A_241 : i32 to index
        %get3A_243 = arith.index_cast %scan3A_162 : i32 to index
        %get3A_244 = arith.constant 192 : index
        %get3A_245 = tpu.vector_load %arg4[%get3A_242, %get3A_243, %get3A_244] {strides = array<i32>} : memref<2x32x1024xf32, #tpu.memory_space<vmem>>, vector<16xf32>,
        %abs3A_246 = math.absf %get3A_245 : vector<16xf32>
        %max3A_247 = arith.maximumf %max3A_219, %abs3A_246 : vector<16xf32>
        %get3A_248 = arith.constant 1 : i32
        %get3A_249 = arith.index_cast %get3A_248 : i32 to index
        %get3A_250 = arith.index_cast %scan3A_162 : i32 to index
        %get3A_251 = arith.constant 208 : index
        %get3A_252 = tpu.vector_load %arg4[%get3A_249, %get3A_250, %get3A_251] {strides = array<i32>} : memref<2x32x1024xf32, #tpu.memory_space<vmem>>, vector<16xf32>,
        %abs3A_253 = math.absf %get3A_252 : vector<16xf32>
        %max3A_254 = arith.maximumf %max3A_226, %abs3A_253 : vector<16xf32>
        %get3A_255 = arith.constant 1 : i32
        %get3A_256 = arith.index_cast %get3A_255 : i32 to index
        %get3A_257 = arith.index_cast %scan3A_162 : i32 to index
        %get3A_258 = arith.constant 224 : index
        %get3A_259 = tpu.vector_load %arg4[%get3A_256, %get3A_257, %get3A_258] {strides = array<i32>} : memref<2x32x1024xf32, #tpu.memory_space<vmem>>, vector<16xf32>,
        %abs3A_260 = math.absf %get3A_259 : vector<16xf32>
        %max3A_261 = arith.maximumf %max3A_233, %abs3A_260 : vector<16xf32>
        %get3A_262 = arith.constant 1 : i32
        %get3A_263 = arith.index_cast %get3A_262 : i32 to index
        %get3A_264 = arith.index_cast %scan3A_162 : i32 to index
        %get3A_265 = arith.constant 240 : index
        %get3A_266 = tpu.vector_load %arg4[%get3A_263, %get3A_264, %get3A_265] {strides = array<i32>} : memref<2x32x1024xf32, #tpu.memory_space<vmem>>, vector<16xf32>,
        %abs3A_267 = math.absf %get3A_266 : vector<16xf32>
        %max3A_268 = arith.maximumf %max3A_240, %abs3A_267 : vector<16xf32>
        %get3A_269 = arith.constant 1 : i32
        %get3A_270 = arith.index_cast %get3A_269 : i32 to index
        %get3A_271 = arith.index_cast %scan3A_162 : i32 to index
        %get3A_272 = arith.constant 256 : index
        %get3A_273 = tpu.vector_load %arg4[%get3A_270, %get3A_271, %get3A_272] {strides = array<i32>} : memref<2x32x1024xf32, #tpu.memory_space<vmem>>, vector<16xf32>,
        %abs3A_274 = math.absf %get3A_273 : vector<16xf32>
        %max3A_275 = arith.maximumf %max3A_247, %abs3A_274 : vector<16xf32>
        %get3A_276 = arith.constant 1 : i32
        %get3A_277 = arith.index_cast %get3A_276 : i32 to index
        %get3A_278 = arith.index_cast %scan3A_162 : i32 to index
        %get3A_279 = arith.constant 272 : index
        %get3A_280 = tpu.vector_load %arg4[%get3A_277, %get3A_278, %get3A_279] {strides = array<i32>} : memref<2x32x1024xf32, #tpu.memory_space<vmem>>, vector<16xf32>,
        %abs3A_281 = math.absf %get3A_280 : vector<16xf32>
        %max3A_282 = arith.maximumf %max3A_254, %abs3A_281 : vector<16xf32>
        %get3A_283 = arith.constant 1 : i32
        %get3A_284 = arith.index_cast %get3A_283 : i32 to index
        %get3A_285 = arith.index_cast %scan3A_162 : i32 to index
        %get3A_286 = arith.constant 288 : index
        %get3A_287 = tpu.vector_load %arg4[%get3A_284, %get3A_285, %get3A_286] {strides = array<i32>} : memref<2x32x1024xf32, #tpu.memory_space<vmem>>, vector<16xf32>,
        %abs3A_288 = math.absf %get3A_287 : vector<16xf32>
        %max3A_289 = arith.maximumf %max3A_261, %abs3A_288 : vector<16xf32>
        %get3A_290 = arith.constant 1 : i32
        %get3A_291 = arith.index_cast %get3A_290 : i32 to index
        %get3A_292 = arith.index_cast %scan3A_162 : i32 to index
        %get3A_293 = arith.constant 304 : index
        %get3A_294 = tpu.vector_load %arg4[%get3A_291, %get3A_292, %get3A_293] {strides = array<i32>} : memref<2x32x1024xf32, #tpu.memory_space<vmem>>, vector<16xf32>,
        %abs3A_295 = math.absf %get3A_294 : vector<16xf32>
        %max3A_296 = arith.maximumf %max3A_268, %abs3A_295 : vector<16xf32>
        %get3A_297 = arith.constant 1 : i32
        %get3A_298 = arith.index_cast %get3A_297 : i32 to index
        %get3A_299 = arith.index_cast %scan3A_162 : i32 to index
        %get3A_300 = arith.constant 320 : index
        %get3A_301 = tpu.vector_load %arg4[%get3A_298, %get3A_299, %get3A_300] {strides = array<i32>} : memref<2x32x1024xf32, #tpu.memory_space<vmem>>, vector<16xf32>,
        %abs3A_302 = math.absf %get3A_301 : vector<16xf32>
        %max3A_303 = arith.maximumf %max3A_275, %abs3A_302 : vector<16xf32>
        %get3A_304 = arith.constant 1 : i32
        %get3A_305 = arith.index_cast %get3A_304 : i32 to index
        %get3A_306 = arith.index_cast %scan3A_162 : i32 to index
        %get3A_307 = arith.constant 336 : index
        %get3A_308 = tpu.vector_load %arg4[%get3A_305, %get3A_306, %get3A_307] {strides = array<i32>} : memref<2x32x1024xf32, #tpu.memory_space<vmem>>, vector<16xf32>,
        %abs3A_309 = math.absf %get3A_308 : vector<16xf32>
        %max3A_310 = arith.maximumf %max3A_282, %abs3A_309 : vector<16xf32>
        %get3A_311 = arith.constant 1 : i32
        %get3A_312 = arith.index_cast %get3A_311 : i32 to index
        %get3A_313 = arith.index_cast %scan3A_162 : i32 to index
        %get3A_314 = arith.constant 352 : index
        %get3A_315 = tpu.vector_load %arg4[%get3A_312, %get3A_313, %get3A_314] {strides = array<i32>} : memref<2x32x1024xf32, #tpu.memory_space<vmem>>, vector<16xf32>,
        %abs3A_316 = math.absf %get3A_315 : vector<16xf32>
        %max3A_317 = arith.maximumf %max3A_289, %abs3A_316 : vector<16xf32>
        %get3A_318 = arith.constant 1 : i32
        %get3A_319 = arith.index_cast %get3A_318 : i32 to index
        %get3A_320 = arith.index_cast %scan3A_162 : i32 to index
        %get3A_321 = arith.constant 368 : index
        %get3A_322 = tpu.vector_load %arg4[%get3A_319, %get3A_320, %get3A_321] {strides = array<i32>} : memref<2x32x1024xf32, #tpu.memory_space<vmem>>, vector<16xf32>,
        %abs3A_323 = math.absf %get3A_322 : vector<16xf32>
        %max3A_324 = arith.maximumf %max3A_296, %abs3A_323 : vector<16xf32>
        %get3A_325 = arith.constant 1 : i32
        %get3A_326 = arith.index_cast %get3A_325 : i32 to index
        %get3A_327 = arith.index_cast %scan3A_162 : i32 to index
        %get3A_328 = arith.constant 384 : index
        %get3A_329 = tpu.vector_load %arg4[%get3A_326, %get3A_327, %get3A_328] {strides = array<i32>} : memref<2x32x1024xf32, #tpu.memory_space<vmem>>, vector<16xf32>,
        %abs3A_330 = math.absf %get3A_329 : vector<16xf32>
        %max3A_331 = arith.maximumf %max3A_303, %abs3A_330 : vector<16xf32>
        %get3A_332 = arith.constant 1 : i32
        %get3A_333 = arith.index_cast %get3A_332 : i32 to index
        %get3A_334 = arith.index_cast %scan3A_162 : i32 to index
        %get3A_335 = arith.constant 400 : index
        %get3A_336 = tpu.vector_load %arg4[%get3A_333, %get3A_334, %get3A_335] {strides = array<i32>} : memref<2x32x1024xf32, #tpu.memory_space<vmem>>, vector<16xf32>,
        %abs3A_337 = math.absf %get3A_336 : vector<16xf32>
        %max3A_338 = arith.maximumf %max3A_310, %abs3A_337 : vector<16xf32>
        %get3A_339 = arith.constant 1 : i32
        %get3A_340 = arith.index_cast %get3A_339 : i32 to index
        %get3A_341 = arith.index_cast %scan3A_162 : i32 to index
        %get3A_342 = arith.constant 416 : index
        %get3A_343 = tpu.vector_load %arg4[%get3A_340, %get3A_341, %get3A_342] {strides = array<i32>} : memref<2x32x1024xf32, #tpu.memory_space<vmem>>, vector<16xf32>,
        %abs3A_344 = math.absf %get3A_343 : vector<16xf32>
        %max3A_345 = arith.maximumf %max3A_317, %abs3A_344 : vector<16xf32>
        %get3A_346 = arith.constant 1 : i32
        %get3A_347 = arith.index_cast %get3A_346 : i32 to index
        %get3A_348 = arith.index_cast %scan3A_162 : i32 to index
        %get3A_349 = arith.constant 432 : index
        %get3A_350 = tpu.vector_load %arg4[%get3A_347, %get3A_348, %get3A_349] {strides = array<i32>} : memref<2x32x1024xf32, #tpu.memory_space<vmem>>, vector<16xf32>,
        %abs3A_351 = math.absf %get3A_350 : vector<16xf32>
        %max3A_352 = arith.maximumf %max3A_324, %abs3A_351 : vector<16xf32>
        %get3A_353 = arith.constant 1 : i32
        %get3A_354 = arith.index_cast %get3A_353 : i32 to index
        %get3A_355 = arith.index_cast %scan3A_162 : i32 to index
        %get3A_356 = arith.constant 448 : index
        %get3A_357 = tpu.vector_load %arg4[%get3A_354, %get3A_355, %get3A_356] {strides = array<i32>} : memref<2x32x1024xf32, #tpu.memory_space<vmem>>, vector<16xf32>,
        %abs3A_358 = math.absf %get3A_357 : vector<16xf32>
        %max3A_359 = arith.maximumf %max3A_331, %abs3A_358 : vector<16xf32>
        %get3A_360 = arith.constant 1 : i32
        %get3A_361 = arith.index_cast %get3A_360 : i32 to index
        %get3A_362 = arith.index_cast %scan3A_162 : i32 to index
        %get3A_363 = arith.constant 464 : index
        %get3A_364 = tpu.vector_load %arg4[%get3A_361, %get3A_362, %get3A_363] {strides = array<i32>} : memref<2x32x1024xf32, #tpu.memory_space<vmem>>, vector<16xf32>,
        %abs3A_365 = math.absf %get3A_364 : vector<16xf32>
        %max3A_366 = arith.maximumf %max3A_338, %abs3A_365 : vector<16xf32>
        %get3A_367 = arith.constant 1 : i32
        %get3A_368 = arith.index_cast %get3A_367 : i32 to index
        %get3A_369 = arith.index_cast %scan3A_162 : i32 to index
        %get3A_370 = arith.constant 480 : index
        %get3A_371 = tpu.vector_load %arg4[%get3A_368, %get3A_369, %get3A_370] {strides = array<i32>} : memref<2x32x1024xf32, #tpu.memory_space<vmem>>, vector<16xf32>,
        %abs3A_372 = math.absf %get3A_371 : vector<16xf32>
        %max3A_373 = arith.maximumf %max3A_345, %abs3A_372 : vector<16xf32>
        %get3A_374 = arith.constant 1 : i32
        %get3A_375 = arith.index_cast %get3A_374 : i32 to index
        %get3A_376 = arith.index_cast %scan3A_162 : i32 to index
        %get3A_377 = arith.constant 496 : index
        %get3A_378 = tpu.vector_load %arg4[%get3A_375, %get3A_376, %get3A_377] {strides = array<i32>} : memref<2x32x1024xf32, #tpu.memory_space<vmem>>, vector<16xf32>,
        %abs3A_379 = math.absf %get3A_378 : vector<16xf32>
        %max3A_380 = arith.maximumf %max3A_352, %abs3A_379 : vector<16xf32>
        %get3A_381 = arith.constant 1 : i32
        %get3A_382 = arith.index_cast %get3A_381 : i32 to index
        %get3A_383 = arith.index_cast %scan3A_162 : i32 to index
        %get3A_384 = arith.constant 512 : index
        %get3A_385 = tpu.vector_load %arg4[%get3A_382, %get3A_383, %get3A_384] {strides = array<i32>} : memref<2x32x1024xf32, #tpu.memory_space<vmem>>, vector<16xf32>,
        %abs3A_386 = math.absf %get3A_385 : vector<16xf32>
        %max3A_387 = arith.maximumf %max3A_359, %abs3A_386 : vector<16xf32>
        %get3A_388 = arith.constant 1 : i32
        %get3A_389 = arith.index_cast %get3A_388 : i32 to index
        %get3A_390 = arith.index_cast %scan3A_162 : i32 to index
        %get3A_391 = arith.constant 528 : index
        %get3A_392 = tpu.vector_load %arg4[%get3A_389, %get3A_390, %get3A_391] {strides = array<i32>} : memref<2x32x1024xf32, #tpu.memory_space<vmem>>, vector<16xf32>,
        %abs3A_393 = math.absf %get3A_392 : vector<16xf32>
        %max3A_394 = arith.maximumf %max3A_366, %abs3A_393 : vector<16xf32>
        %get3A_395 = arith.constant 1 : i32
        %get3A_396 = arith.index_cast %get3A_395 : i32 to index
        %get3A_397 = arith.index_cast %scan3A_162 : i32 to index
        %get3A_398 = arith.constant 544 : index
        %get3A_399 = tpu.vector_load %arg4[%get3A_396, %get3A_397, %get3A_398] {strides = array<i32>} : memref<2x32x1024xf32, #tpu.memory_space<vmem>>, vector<16xf32>,
        %abs3A_400 = math.absf %get3A_399 : vector<16xf32>
        %max3A_401 = arith.maximumf %max3A_373, %abs3A_400 : vector<16xf32>
        %get3A_402 = arith.constant 1 : i32
        %get3A_403 = arith.index_cast %get3A_402 : i32 to index
        %get3A_404 = arith.index_cast %scan3A_162 : i32 to index
        %get3A_405 = arith.constant 560 : index
        %get3A_406 = tpu.vector_load %arg4[%get3A_403, %get3A_404, %get3A_405] {strides = array<i32>} : memref<2x32x1024xf32, #tpu.memory_space<vmem>>, vector<16xf32>,
        %abs3A_407 = math.absf %get3A_406 : vector<16xf32>
        %max3A_408 = arith.maximumf %max3A_380, %abs3A_407 : vector<16xf32>
        %get3A_409 = arith.constant 1 : i32
        %get3A_410 = arith.index_cast %get3A_409 : i32 to index
        %get3A_411 = arith.index_cast %scan3A_162 : i32 to index
        %get3A_412 = arith.constant 576 : index
        %get3A_413 = tpu.vector_load %arg4[%get3A_410, %get3A_411, %get3A_412] {strides = array<i32>} : memref<2x32x1024xf32, #tpu.memory_space<vmem>>, vector<16xf32>,
        %abs3A_414 = math.absf %get3A_413 : vector<16xf32>
        %max3A_415 = arith.maximumf %max3A_387, %abs3A_414 : vector<16xf32>
        %get3A_416 = arith.constant 1 : i32
        %get3A_417 = arith.index_cast %get3A_416 : i32 to index
        %get3A_418 = arith.index_cast %scan3A_162 : i32 to index
        %get3A_419 = arith.constant 592 : index
        %get3A_420 = tpu.vector_load %arg4[%get3A_417, %get3A_418, %get3A_419] {strides = array<i32>} : memref<2x32x1024xf32, #tpu.memory_space<vmem>>, vector<16xf32>,
        %abs3A_421 = math.absf %get3A_420 : vector<16xf32>
        %max3A_422 = arith.maximumf %max3A_394, %abs3A_421 : vector<16xf32>
        %get3A_423 = arith.constant 1 : i32
        %get3A_424 = arith.index_cast %get3A_423 : i32 to index
        %get3A_425 = arith.index_cast %scan3A_162 : i32 to index
        %get3A_426 = arith.constant 608 : index
        %get3A_427 = tpu.vector_load %arg4[%get3A_424, %get3A_425, %get3A_426] {strides = array<i32>} : memref<2x32x1024xf32, #tpu.memory_space<vmem>>, vector<16xf32>,
        %abs3A_428 = math.absf %get3A_427 : vector<16xf32>
        %max3A_429 = arith.maximumf %max3A_401, %abs3A_428 : vector<16xf32>
        %get3A_430 = arith.constant 1 : i32
        %get3A_431 = arith.index_cast %get3A_430 : i32 to index
        %get3A_432 = arith.index_cast %scan3A_162 : i32 to index
        %get3A_433 = arith.constant 624 : index
        %get3A_434 = tpu.vector_load %arg4[%get3A_431, %get3A_432, %get3A_433] {strides = array<i32>} : memref<2x32x1024xf32, #tpu.memory_space<vmem>>, vector<16xf32>,
        %abs3A_435 = math.absf %get3A_434 : vector<16xf32>
        %max3A_436 = arith.maximumf %max3A_408, %abs3A_435 : vector<16xf32>
        %get3A_437 = arith.constant 1 : i32
        %get3A_438 = arith.index_cast %get3A_437 : i32 to index
        %get3A_439 = arith.index_cast %scan3A_162 : i32 to index
        %get3A_440 = arith.constant 640 : index
        %get3A_441 = tpu.vector_load %arg4[%get3A_438, %get3A_439, %get3A_440] {strides = array<i32>} : memref<2x32x1024xf32, #tpu.memory_space<vmem>>, vector<16xf32>,
        %abs3A_442 = math.absf %get3A_441 : vector<16xf32>
        %max3A_443 = arith.maximumf %max3A_415, %abs3A_442 : vector<16xf32>
        %get3A_444 = arith.constant 1 : i32
        %get3A_445 = arith.index_cast %get3A_444 : i32 to index
        %get3A_446 = arith.index_cast %scan3A_162 : i32 to index
        %get3A_447 = arith.constant 656 : index
        %get3A_448 = tpu.vector_load %arg4[%get3A_445, %get3A_446, %get3A_447] {strides = array<i32>} : memref<2x32x1024xf32, #tpu.memory_space<vmem>>, vector<16xf32>,
        %abs3A_449 = math.absf %get3A_448 : vector<16xf32>
        %max3A_450 = arith.maximumf %max3A_422, %abs3A_449 : vector<16xf32>
        %get3A_451 = arith.constant 1 : i32
        %get3A_452 = arith.index_cast %get3A_451 : i32 to index
        %get3A_453 = arith.index_cast %scan3A_162 : i32 to index
        %get3A_454 = arith.constant 672 : index
        %get3A_455 = tpu.vector_load %arg4[%get3A_452, %get3A_453, %get3A_454] {strides = array<i32>} : memref<2x32x1024xf32, #tpu.memory_space<vmem>>, vector<16xf32>,
        %abs3A_456 = math.absf %get3A_455 : vector<16xf32>
        %max3A_457 = arith.maximumf %max3A_429, %abs3A_456 : vector<16xf32>
        %get3A_458 = arith.constant 1 : i32
        %get3A_459 = arith.index_cast %get3A_458 : i32 to index
        %get3A_460 = arith.index_cast %scan3A_162 : i32 to index
        %get3A_461 = arith.constant 688 : index
        %get3A_462 = tpu.vector_load %arg4[%get3A_459, %get3A_460, %get3A_461] {strides = array<i32>} : memref<2x32x1024xf32, #tpu.memory_space<vmem>>, vector<16xf32>,
        %abs3A_463 = math.absf %get3A_462 : vector<16xf32>
        %max3A_464 = arith.maximumf %max3A_436, %abs3A_463 : vector<16xf32>
        %get3A_465 = arith.constant 1 : i32
        %get3A_466 = arith.index_cast %get3A_465 : i32 to index
        %get3A_467 = arith.index_cast %scan3A_162 : i32 to index
        %get3A_468 = arith.constant 704 : index
        %get3A_469 = tpu.vector_load %arg4[%get3A_466, %get3A_467, %get3A_468] {strides = array<i32>} : memref<2x32x1024xf32, #tpu.memory_space<vmem>>, vector<16xf32>,
        %abs3A_470 = math.absf %get3A_469 : vector<16xf32>
        %max3A_471 = arith.maximumf %max3A_443, %abs3A_470 : vector<16xf32>
        %get3A_472 = arith.constant 1 : i32
        %get3A_473 = arith.index_cast %get3A_472 : i32 to index
        %get3A_474 = arith.index_cast %scan3A_162 : i32 to index
        %get3A_475 = arith.constant 720 : index
        %get3A_476 = tpu.vector_load %arg4[%get3A_473, %get3A_474, %get3A_475] {strides = array<i32>} : memref<2x32x1024xf32, #tpu.memory_space<vmem>>, vector<16xf32>,
        %abs3A_477 = math.absf %get3A_476 : vector<16xf32>
        %max3A_478 = arith.maximumf %max3A_450, %abs3A_477 : vector<16xf32>
        %get3A_479 = arith.constant 1 : i32
        %get3A_480 = arith.index_cast %get3A_479 : i32 to index
        %get3A_481 = arith.index_cast %scan3A_162 : i32 to index
        %get3A_482 = arith.constant 736 : index
        %get3A_483 = tpu.vector_load %arg4[%get3A_480, %get3A_481, %get3A_482] {strides = array<i32>} : memref<2x32x1024xf32, #tpu.memory_space<vmem>>, vector<16xf32>,
        %abs3A_484 = math.absf %get3A_483 : vector<16xf32>
        %max3A_485 = arith.maximumf %max3A_457, %abs3A_484 : vector<16xf32>
        %get3A_486 = arith.constant 1 : i32
        %get3A_487 = arith.index_cast %get3A_486 : i32 to index
        %get3A_488 = arith.index_cast %scan3A_162 : i32 to index
        %get3A_489 = arith.constant 752 : index
        %get3A_490 = tpu.vector_load %arg4[%get3A_487, %get3A_488, %get3A_489] {strides = array<i32>} : memref<2x32x1024xf32, #tpu.memory_space<vmem>>, vector<16xf32>,
        %abs3A_491 = math.absf %get3A_490 : vector<16xf32>
        %max3A_492 = arith.maximumf %max3A_464, %abs3A_491 : vector<16xf32>
        %get3A_493 = arith.constant 1 : i32
        %get3A_494 = arith.index_cast %get3A_493 : i32 to index
        %get3A_495 = arith.index_cast %scan3A_162 : i32 to index
        %get3A_496 = arith.constant 768 : index
        %get3A_497 = tpu.vector_load %arg4[%get3A_494, %get3A_495, %get3A_496] {strides = array<i32>} : memref<2x32x1024xf32, #tpu.memory_space<vmem>>, vector<16xf32>,
        %abs3A_498 = math.absf %get3A_497 : vector<16xf32>
        %max3A_499 = arith.maximumf %max3A_471, %abs3A_498 : vector<16xf32>
        %get3A_500 = arith.constant 1 : i32
        %get3A_501 = arith.index_cast %get3A_500 : i32 to index
        %get3A_502 = arith.index_cast %scan3A_162 : i32 to index
        %get3A_503 = arith.constant 784 : index
        %get3A_504 = tpu.vector_load %arg4[%get3A_501, %get3A_502, %get3A_503] {strides = array<i32>} : memref<2x32x1024xf32, #tpu.memory_space<vmem>>, vector<16xf32>,
        %abs3A_505 = math.absf %get3A_504 : vector<16xf32>
        %max3A_506 = arith.maximumf %max3A_478, %abs3A_505 : vector<16xf32>
        %get3A_507 = arith.constant 1 : i32
        %get3A_508 = arith.index_cast %get3A_507 : i32 to index
        %get3A_509 = arith.index_cast %scan3A_162 : i32 to index
        %get3A_510 = arith.constant 800 : index
        %get3A_511 = tpu.vector_load %arg4[%get3A_508, %get3A_509, %get3A_510] {strides = array<i32>} : memref<2x32x1024xf32, #tpu.memory_space<vmem>>, vector<16xf32>,
        %abs3A_512 = math.absf %get3A_511 : vector<16xf32>
        %max3A_513 = arith.maximumf %max3A_485, %abs3A_512 : vector<16xf32>
        %get3A_514 = arith.constant 1 : i32
        %get3A_515 = arith.index_cast %get3A_514 : i32 to index
        %get3A_516 = arith.index_cast %scan3A_162 : i32 to index
        %get3A_517 = arith.constant 816 : index
        %get3A_518 = tpu.vector_load %arg4[%get3A_515, %get3A_516, %get3A_517] {strides = array<i32>} : memref<2x32x1024xf32, #tpu.memory_space<vmem>>, vector<16xf32>,
        %abs3A_519 = math.absf %get3A_518 : vector<16xf32>
        %max3A_520 = arith.maximumf %max3A_492, %abs3A_519 : vector<16xf32>
        %get3A_521 = arith.constant 1 : i32
        %get3A_522 = arith.index_cast %get3A_521 : i32 to index
        %get3A_523 = arith.index_cast %scan3A_162 : i32 to index
        %get3A_524 = arith.constant 832 : index
        %get3A_525 = tpu.vector_load %arg4[%get3A_522, %get3A_523, %get3A_524] {strides = array<i32>} : memref<2x32x1024xf32, #tpu.memory_space<vmem>>, vector<16xf32>,
        %abs3A_526 = math.absf %get3A_525 : vector<16xf32>
        %max3A_527 = arith.maximumf %max3A_499, %abs3A_526 : vector<16xf32>
        %get3A_528 = arith.constant 1 : i32
        %get3A_529 = arith.index_cast %get3A_528 : i32 to index
        %get3A_530 = arith.index_cast %scan3A_162 : i32 to index
        %get3A_531 = arith.constant 848 : index
        %get3A_532 = tpu.vector_load %arg4[%get3A_529, %get3A_530, %get3A_531] {strides = array<i32>} : memref<2x32x1024xf32, #tpu.memory_space<vmem>>, vector<16xf32>,
        %abs3A_533 = math.absf %get3A_532 : vector<16xf32>
        %max3A_534 = arith.maximumf %max3A_506, %abs3A_533 : vector<16xf32>
        %get3A_535 = arith.constant 1 : i32
        %get3A_536 = arith.index_cast %get3A_535 : i32 to index
        %get3A_537 = arith.index_cast %scan3A_162 : i32 to index
        %get3A_538 = arith.constant 864 : index
        %get3A_539 = tpu.vector_load %arg4[%get3A_536, %get3A_537, %get3A_538] {strides = array<i32>} : memref<2x32x1024xf32, #tpu.memory_space<vmem>>, vector<16xf32>,
        %abs3A_540 = math.absf %get3A_539 : vector<16xf32>
        %max3A_541 = arith.maximumf %max3A_513, %abs3A_540 : vector<16xf32>
        %get3A_542 = arith.constant 1 : i32
        %get3A_543 = arith.index_cast %get3A_542 : i32 to index
        %get3A_544 = arith.index_cast %scan3A_162 : i32 to index
        %get3A_545 = arith.constant 880 : index
        %get3A_546 = tpu.vector_load %arg4[%get3A_543, %get3A_544, %get3A_545] {strides = array<i32>} : memref<2x32x1024xf32, #tpu.memory_space<vmem>>, vector<16xf32>,
        %abs3A_547 = math.absf %get3A_546 : vector<16xf32>
        %max3A_548 = arith.maximumf %max3A_520, %abs3A_547 : vector<16xf32>
        %get3A_549 = arith.constant 1 : i32
        %get3A_550 = arith.index_cast %get3A_549 : i32 to index
        %get3A_551 = arith.index_cast %scan3A_162 : i32 to index
        %get3A_552 = arith.constant 896 : index
        %get3A_553 = tpu.vector_load %arg4[%get3A_550, %get3A_551, %get3A_552] {strides = array<i32>} : memref<2x32x1024xf32, #tpu.memory_space<vmem>>, vector<16xf32>,
        %abs3A_554 = math.absf %get3A_553 : vector<16xf32>
        %max3A_555 = arith.maximumf %max3A_527, %abs3A_554 : vector<16xf32>
        %get3A_556 = arith.constant 1 : i32
        %get3A_557 = arith.index_cast %get3A_556 : i32 to index
        %get3A_558 = arith.index_cast %scan3A_162 : i32 to index
        %get3A_559 = arith.constant 912 : index
        %get3A_560 = tpu.vector_load %arg4[%get3A_557, %get3A_558, %get3A_559] {strides = array<i32>} : memref<2x32x1024xf32, #tpu.memory_space<vmem>>, vector<16xf32>,
        %abs3A_561 = math.absf %get3A_560 : vector<16xf32>
        %max3A_562 = arith.maximumf %max3A_534, %abs3A_561 : vector<16xf32>
        %get3A_563 = arith.constant 1 : i32
        %get3A_564 = arith.index_cast %get3A_563 : i32 to index
        %get3A_565 = arith.index_cast %scan3A_162 : i32 to index
        %get3A_566 = arith.constant 928 : index
        %get3A_567 = tpu.vector_load %arg4[%get3A_564, %get3A_565, %get3A_566] {strides = array<i32>} : memref<2x32x1024xf32, #tpu.memory_space<vmem>>, vector<16xf32>,
        %abs3A_568 = math.absf %get3A_567 : vector<16xf32>
        %max3A_569 = arith.maximumf %max3A_541, %abs3A_568 : vector<16xf32>
        %get3A_570 = arith.constant 1 : i32
        %get3A_571 = arith.index_cast %get3A_570 : i32 to index
        %get3A_572 = arith.index_cast %scan3A_162 : i32 to index
        %get3A_573 = arith.constant 944 : index
        %get3A_574 = tpu.vector_load %arg4[%get3A_571, %get3A_572, %get3A_573] {strides = array<i32>} : memref<2x32x1024xf32, #tpu.memory_space<vmem>>, vector<16xf32>,
        %abs3A_575 = math.absf %get3A_574 : vector<16xf32>
        %max3A_576 = arith.maximumf %max3A_548, %abs3A_575 : vector<16xf32>
        %get3A_577 = arith.constant 1 : i32
        %get3A_578 = arith.index_cast %get3A_577 : i32 to index
        %get3A_579 = arith.index_cast %scan3A_162 : i32 to index
        %get3A_580 = arith.constant 960 : index
        %get3A_581 = tpu.vector_load %arg4[%get3A_578, %get3A_579, %get3A_580] {strides = array<i32>} : memref<2x32x1024xf32, #tpu.memory_space<vmem>>, vector<16xf32>,
        %abs3A_582 = math.absf %get3A_581 : vector<16xf32>
        %max3A_583 = arith.maximumf %max3A_555, %abs3A_582 : vector<16xf32>
        %get3A_584 = arith.constant 1 : i32
        %get3A_585 = arith.index_cast %get3A_584 : i32 to index
        %get3A_586 = arith.index_cast %scan3A_162 : i32 to index
        %get3A_587 = arith.constant 976 : index
        %get3A_588 = tpu.vector_load %arg4[%get3A_585, %get3A_586, %get3A_587] {strides = array<i32>} : memref<2x32x1024xf32, #tpu.memory_space<vmem>>, vector<16xf32>,
        %abs3A_589 = math.absf %get3A_588 : vector<16xf32>
        %max3A_590 = arith.maximumf %max3A_562, %abs3A_589 : vector<16xf32>
        %get3A_591 = arith.constant 1 : i32
        %get3A_592 = arith.index_cast %get3A_591 : i32 to index
        %get3A_593 = arith.index_cast %scan3A_162 : i32 to index
        %get3A_594 = arith.constant 992 : index
        %get3A_595 = tpu.vector_load %arg4[%get3A_592, %get3A_593, %get3A_594] {strides = array<i32>} : memref<2x32x1024xf32, #tpu.memory_space<vmem>>, vector<16xf32>,
        %abs3A_596 = math.absf %get3A_595 : vector<16xf32>
        %max3A_597 = arith.maximumf %max3A_569, %abs3A_596 : vector<16xf32>
        %get3A_598 = arith.constant 1 : i32
        %get3A_599 = arith.index_cast %get3A_598 : i32 to index
        %get3A_600 = arith.index_cast %scan3A_162 : i32 to index
        %get3A_601 = arith.constant 1008 : index
        %get3A_602 = tpu.vector_load %arg4[%get3A_599, %get3A_600, %get3A_601] {strides = array<i32>} : memref<2x32x1024xf32, #tpu.memory_space<vmem>>, vector<16xf32>,
        %abs3A_603 = math.absf %get3A_602 : vector<16xf32>
        %max3A_604 = arith.maximumf %max3A_576, %abs3A_603 : vector<16xf32>
        %max3A_605 = arith.maximumf %max3A_583, %max3A_590 : vector<16xf32>
        %max3A_606 = arith.maximumf %max3A_597, %max3A_604 : vector<16xf32>
        %max3A_607 = arith.maximumf %max3A_605, %max3A_606 : vector<16xf32>
        %gt3A = arith.constant 0.000000e+00 : f32
        %gt3A_608 = vector.broadcast %gt3A : f32 to vector<16xf32>
        %gt3A_609 = arith.cmpf ogt, %max3A_607, %gt3A_608 : vector<16xf32>
        %all_reduce_population_count3A = tpu.all_reduce %gt3A_609 {dim = 0 : i64, kind = #tpu.reduction_kind<sum>} : vector<16xi1> -> vector<16xi32>
        %min3A = arith.minsi %all_reduce_population_count3A, %broadcast_in_dim3A_67 : vector<16xi32>
        %add3A_610 = arith.addi %scan3A_163, %min3A : vector<16xi32>
        scf.yield %add3A_610 : vector<16xi32>
      }
      %scan3A_154 = arith.constant 32 : i32
      %add3A_155 = arith.constant 2 : i32
      %add3A_156 = arith.addi %add3A_132, %add3A_155 : i32
      %lt3A_157 = arith.constant 4 : i32
      %lt3A_158 = arith.cmpi slt, %add3A_156, %lt3A_157 : i32
      %convert_element_type3A_159 = arith.extui %lt3A_158 : i1 to i32
      %cond3A_160 = arith.constant 0 : i32
      %cond3A_161 = arith.cmpi ne, %convert_element_type3A_159, %cond3A_160 : i32
      scf.if %cond3A_161 {
        %add3A_162 = arith.constant 2 : i32
        %add3A_163 = arith.addi %add3A_132, %add3A_162 : i32
        %mul3A_164 = arith.constant 32 : i32
        %mul3A_165 = arith.muli %add3A_163, %mul3A_164 : i32
        %add3A_166 = arith.addi %add3A_37, %mul3A_165 : i32
        %dma_start3A_167 = arith.constant 1 : i32
        %dma_start3A_168 = arith.constant 0 : i32
        %dma_start3A_169 = arith.constant 0 : i32
        %dma_start3A_170 = tpu.memref_slice %arg4[%dma_start3A_167, %dma_start3A_168, %dma_start3A_169] : memref<2x32x1024xf32, #tpu.memory_space<vmem>> -> memref<1x32x1024xf32, #tpu.memory_space<vmem>>
        %dma_start3A_171 = tpu.memref_squeeze %dma_start3A_170 : memref<1x32x1024xf32, #tpu.memory_space<vmem>> -> memref<32x1024xf32, #tpu.memory_space<vmem>>
        %dma_start3A_172 = arith.constant 0 : i32
        %dma_start3A_173 = tpu.memref_slice %arg2[%add3A_166, %dma_start3A_172] : memref<32768x1024xf32, #tpu.memory_space<hbm>> -> memref<32x1024xf32, #tpu.memory_space<hbm>>
        %dma_start3A_174 = arith.constant 0 : i32
        %dma_start3A_175 = arith.constant 0 : i32
        %dma_start3A_176 = tpu.memref_slice %arg4[%dma_start3A_167, %dma_start3A_174, %dma_start3A_175] : memref<2x32x1024xf32, #tpu.memory_space<vmem>> -> memref<1x32x1024xf32, #tpu.memory_space<vmem>>
        %dma_start3A_177 = tpu.memref_squeeze %dma_start3A_176 : memref<1x32x1024xf32, #tpu.memory_space<vmem>> -> memref<32x1024xf32, #tpu.memory_space<vmem>>
        %dma_start3A_178 = arith.constant 0 : i32
        %dma_start3A_179 = tpu.memref_slice %arg2[%add3A_166, %dma_start3A_178] : memref<32768x1024xf32, #tpu.memory_space<hbm>> -> memref<32x1024xf32, #tpu.memory_space<hbm>>
        tpu.enqueue_dma source(%dma_start3A_179 : memref<32x1024xf32, #tpu.memory_space<hbm>>) target(%dma_start3A_177 : memref<32x1024xf32, #tpu.memory_space<vmem>>) target_semaphore(%arg10 : memref<!tpu.dma_semaphore, #tpu.memory_space<semaphore_mem>>)
      } else {
      }
      scf.yield %scan3A_153 : vector<16xi32>
    }
    %scan3A_74 = arith.constant 2 : i32
    %swap3A = arith.constant 0 : index
    %swap3A_75 = tpu.vector_load %arg5[%swap3A] {strides = array<i32>} : memref<16xi32, #tpu.memory_space<vmem>>, vector<16xi32>,
    tpu.vector_store %arg5[%swap3A], %scan3A_73 {strides = array<i32>} : memref<16xi32, #tpu.memory_space<vmem>>, vector<16xi32>,
    "tpu.region"() ({
      %run_scoped3A = tpu.sem_alloc : memref<!tpu.dma_semaphore, #tpu.memory_space<semaphore_mem>>
      %dma_start3A_95 = arith.constant 0 : i32
      %dma_start3A_96 = tpu.memref_slice %arg8[%arg1, %dma_start3A_95] : memref<16x16xi32, #tpu.memory_space<vmem_shared>> -> memref<1x16xi32, #tpu.memory_space<vmem_shared>>
      %dma_start3A_97 = tpu.memref_squeeze %dma_start3A_96 : memref<1x16xi32, #tpu.memory_space<vmem_shared>> -> memref<16xi32, #tpu.memory_space<vmem_shared>>
      %dma_start3A_98 = arith.constant 0 : i32
      %dma_start3A_99 = tpu.memref_slice %arg8[%arg1, %dma_start3A_98] : memref<16x16xi32, #tpu.memory_space<vmem_shared>> -> memref<1x16xi32, #tpu.memory_space<vmem_shared>>
      %dma_start3A_100 = tpu.memref_squeeze %dma_start3A_99 : memref<1x16xi32, #tpu.memory_space<vmem_shared>> -> memref<16xi32, #tpu.memory_space<vmem_shared>>
      tpu.enqueue_dma source(%arg5 : memref<16xi32, #tpu.memory_space<vmem>>) target(%dma_start3A_100 : memref<16xi32, #tpu.memory_space<vmem_shared>>) target_semaphore(%run_scoped3A : memref<!tpu.dma_semaphore, #tpu.memory_space<semaphore_mem>>)
      %dma_wait3A = arith.constant 0 : i32
      %dma_wait3A_101 = tpu.memref_slice %arg8[%arg1, %dma_wait3A] : memref<16x16xi32, #tpu.memory_space<vmem_shared>> -> memref<1x16xi32, #tpu.memory_space<vmem_shared>>
      %dma_wait3A_102 = tpu.memref_squeeze %dma_wait3A_101 : memref<1x16xi32, #tpu.memory_space<vmem_shared>> -> memref<16xi32, #tpu.memory_space<vmem_shared>>
      %dma_wait3A_103 = arith.constant 0 : i32
      %dma_wait3A_104 = tpu.memref_slice %arg8[%arg1, %dma_wait3A_103] : memref<16x16xi32, #tpu.memory_space<vmem_shared>> -> memref<1x16xi32, #tpu.memory_space<vmem_shared>>
      %dma_wait3A_105 = tpu.memref_squeeze %dma_wait3A_104 : memref<1x16xi32, #tpu.memory_space<vmem_shared>> -> memref<16xi32, #tpu.memory_space<vmem_shared>>
      tpu.wait_dma2 semaphore(%run_scoped3A : memref<!tpu.dma_semaphore, #tpu.memory_space<semaphore_mem>>) src(%arg5 : memref<16xi32, #tpu.memory_space<vmem>>) dst(%dma_wait3A_105 : memref<16xi32, #tpu.memory_space<vmem_shared>>)
      tpu.yield
    }) : () -> ()
    %barrier3A = arith.constant 0 : index
    tpu.barrier barrier_id(%barrier3A)
    %jit3A_76 = arith.constant 16 : i32
    %eq3A_77 = arith.constant 0 : i32
    %eq3A_78 = arith.cmpi eq, %jit3A_76, %eq3A_77 : i32
    %jit3A_79 = arith.constant 1 : i32
    %select_n3A_80 = arith.select %eq3A_78, %jit3A_79, %jit3A_76 : i32
    %rem3A_81 = arith.remsi %arg1, %select_n3A_80 : i32
    %ne3A_82 = arith.constant 0 : i32
    %ne3A_83 = arith.cmpi ne, %rem3A_81, %ne3A_82 : i32
    %lt3A_84 = arith.constant 0 : i32
    %lt3A_85 = arith.cmpi slt, %rem3A_81, %lt3A_84 : i32
    %lt3A_86 = arith.constant 0 : i32
    %lt3A_87 = arith.cmpi slt, %select_n3A_80, %lt3A_86 : i32
    %ne3A_88 = arith.xori %lt3A_85, %lt3A_87 : i1
    %and3A_89 = arith.andi %ne3A_88, %ne3A_83 : i1
    %add3A_90 = arith.addi %rem3A_81, %select_n3A_80 : i32
    %select_n3A_91 = arith.select %and3A_89, %add3A_90, %rem3A_81 : i32
    %eq3A_92 = arith.constant 0 : i32
    %eq3A_93 = arith.cmpi eq, %select_n3A_91, %eq3A_92 : i32
    %convert_element_type3A = arith.extui %eq3A_93 : i1 to i32
    %cond3A = arith.constant 0 : i32
    %cond3A_94 = arith.cmpi ne, %convert_element_type3A, %cond3A : i32
    scf.if %cond3A_94 {
      "tpu.region"() ({
        %run_scoped3A = tpu.sem_alloc : memref<!tpu.dma_semaphore, #tpu.memory_space<semaphore_mem>>
        %dma_start3A_185 = arith.constant 0 : i32
        %dma_start3A_186 = tpu.memref_slice %arg8[%arg1, %dma_start3A_185] : memref<16x16xi32, #tpu.memory_space<vmem_shared>> -> memref<16x16xi32, #tpu.memory_space<vmem_shared>>
        %dma_start3A_187 = arith.constant 0 : i32
        %dma_start3A_188 = tpu.memref_slice %arg8[%arg1, %dma_start3A_187] : memref<16x16xi32, #tpu.memory_space<vmem_shared>> -> memref<16x16xi32, #tpu.memory_space<vmem_shared>>
        tpu.enqueue_dma source(%dma_start3A_188 : memref<16x16xi32, #tpu.memory_space<vmem_shared>>) target(%arg6 : memref<16x16xi32, #tpu.memory_space<vmem>>) target_semaphore(%run_scoped3A : memref<!tpu.dma_semaphore, #tpu.memory_space<semaphore_mem>>)
        %dma_wait3A = arith.constant 0 : i32
        %dma_wait3A_189 = tpu.memref_slice %arg8[%arg1, %dma_wait3A] : memref<16x16xi32, #tpu.memory_space<vmem_shared>> -> memref<16x16xi32, #tpu.memory_space<vmem_shared>>
        %dma_wait3A_190 = arith.constant 0 : i32
        %dma_wait3A_191 = tpu.memref_slice %arg8[%arg1, %dma_wait3A_190] : memref<16x16xi32, #tpu.memory_space<vmem_shared>> -> memref<16x16xi32, #tpu.memory_space<vmem_shared>>
        tpu.wait_dma2 semaphore(%run_scoped3A : memref<!tpu.dma_semaphore, #tpu.memory_space<semaphore_mem>>) src(%dma_wait3A_191 : memref<16x16xi32, #tpu.memory_space<vmem_shared>>) dst(%arg6 : memref<16x16xi32, #tpu.memory_space<vmem>>)
        tpu.yield
      }) : () -> ()
      %get3A = arith.constant 0 : i32
      %get3A_95 = arith.index_cast %get3A : i32 to index
      %get3A_96 = arith.constant 0 : index
      %get3A_97 = tpu.vector_load %arg6[%get3A_95, %get3A_96] {strides = array<i32>} : memref<16x16xi32, #tpu.memory_space<vmem>>, vector<16xi32>,
      %get3A_98 = arith.constant 1 : i32
      %get3A_99 = arith.index_cast %get3A_98 : i32 to index
      %get3A_100 = arith.constant 0 : index
      %get3A_101 = tpu.vector_load %arg6[%get3A_99, %get3A_100] {strides = array<i32>} : memref<16x16xi32, #tpu.memory_space<vmem>>, vector<16xi32>,
      %add3A_102 = arith.addi %get3A_97, %get3A_101 : vector<16xi32>
      %get3A_103 = arith.constant 2 : i32
      %get3A_104 = arith.index_cast %get3A_103 : i32 to index
      %get3A_105 = arith.constant 0 : index
      %get3A_106 = tpu.vector_load %arg6[%get3A_104, %get3A_105] {strides = array<i32>} : memref<16x16xi32, #tpu.memory_space<vmem>>, vector<16xi32>,
      %add3A_107 = arith.addi %add3A_102, %get3A_106 : vector<16xi32>
      %get3A_108 = arith.constant 3 : i32
      %get3A_109 = arith.index_cast %get3A_108 : i32 to index
      %get3A_110 = arith.constant 0 : index
      %get3A_111 = tpu.vector_load %arg6[%get3A_109, %get3A_110] {strides = array<i32>} : memref<16x16xi32, #tpu.memory_space<vmem>>, vector<16xi32>,
      %add3A_112 = arith.addi %add3A_107, %get3A_111 : vector<16xi32>
      %get3A_113 = arith.constant 4 : i32
      %get3A_114 = arith.index_cast %get3A_113 : i32 to index
      %get3A_115 = arith.constant 0 : index
      %get3A_116 = tpu.vector_load %arg6[%get3A_114, %get3A_115] {strides = array<i32>} : memref<16x16xi32, #tpu.memory_space<vmem>>, vector<16xi32>,
      %add3A_117 = arith.addi %add3A_112, %get3A_116 : vector<16xi32>
      %get3A_118 = arith.constant 5 : i32
      %get3A_119 = arith.index_cast %get3A_118 : i32 to index
      %get3A_120 = arith.constant 0 : index
      %get3A_121 = tpu.vector_load %arg6[%get3A_119, %get3A_120] {strides = array<i32>} : memref<16x16xi32, #tpu.memory_space<vmem>>, vector<16xi32>,
      %add3A_122 = arith.addi %add3A_117, %get3A_121 : vector<16xi32>
      %get3A_123 = arith.constant 6 : i32
      %get3A_124 = arith.index_cast %get3A_123 : i32 to index
      %get3A_125 = arith.constant 0 : index
      %get3A_126 = tpu.vector_load %arg6[%get3A_124, %get3A_125] {strides = array<i32>} : memref<16x16xi32, #tpu.memory_space<vmem>>, vector<16xi32>,
      %add3A_127 = arith.addi %add3A_122, %get3A_126 : vector<16xi32>
      %get3A_128 = arith.constant 7 : i32
      %get3A_129 = arith.index_cast %get3A_128 : i32 to index
      %get3A_130 = arith.constant 0 : index
      %get3A_131 = tpu.vector_load %arg6[%get3A_129, %get3A_130] {strides = array<i32>} : memref<16x16xi32, #tpu.memory_space<vmem>>, vector<16xi32>,
      %add3A_132 = arith.addi %add3A_127, %get3A_131 : vector<16xi32>
      %get3A_133 = arith.constant 8 : i32
      %get3A_134 = arith.index_cast %get3A_133 : i32 to index
      %get3A_135 = arith.constant 0 : index
      %get3A_136 = tpu.vector_load %arg6[%get3A_134, %get3A_135] {strides = array<i32>} : memref<16x16xi32, #tpu.memory_space<vmem>>, vector<16xi32>,
      %add3A_137 = arith.addi %add3A_132, %get3A_136 : vector<16xi32>
      %get3A_138 = arith.constant 9 : i32
      %get3A_139 = arith.index_cast %get3A_138 : i32 to index
      %get3A_140 = arith.constant 0 : index
      %get3A_141 = tpu.vector_load %arg6[%get3A_139, %get3A_140] {strides = array<i32>} : memref<16x16xi32, #tpu.memory_space<vmem>>, vector<16xi32>,
      %add3A_142 = arith.addi %add3A_137, %get3A_141 : vector<16xi32>
      %get3A_143 = arith.constant 10 : i32
      %get3A_144 = arith.index_cast %get3A_143 : i32 to index
      %get3A_145 = arith.constant 0 : index
      %get3A_146 = tpu.vector_load %arg6[%get3A_144, %get3A_145] {strides = array<i32>} : memref<16x16xi32, #tpu.memory_space<vmem>>, vector<16xi32>,
      %add3A_147 = arith.addi %add3A_142, %get3A_146 : vector<16xi32>
      %get3A_148 = arith.constant 11 : i32
      %get3A_149 = arith.index_cast %get3A_148 : i32 to index
      %get3A_150 = arith.constant 0 : index
      %get3A_151 = tpu.vector_load %arg6[%get3A_149, %get3A_150] {strides = array<i32>} : memref<16x16xi32, #tpu.memory_space<vmem>>, vector<16xi32>,
      %add3A_152 = arith.addi %add3A_147, %get3A_151 : vector<16xi32>
      %get3A_153 = arith.constant 12 : i32
      %get3A_154 = arith.index_cast %get3A_153 : i32 to index
      %get3A_155 = arith.constant 0 : index
      %get3A_156 = tpu.vector_load %arg6[%get3A_154, %get3A_155] {strides = array<i32>} : memref<16x16xi32, #tpu.memory_space<vmem>>, vector<16xi32>,
      %add3A_157 = arith.addi %add3A_152, %get3A_156 : vector<16xi32>
      %get3A_158 = arith.constant 13 : i32
      %get3A_159 = arith.index_cast %get3A_158 : i32 to index
      %get3A_160 = arith.constant 0 : index
      %get3A_161 = tpu.vector_load %arg6[%get3A_159, %get3A_160] {strides = array<i32>} : memref<16x16xi32, #tpu.memory_space<vmem>>, vector<16xi32>,
      %add3A_162 = arith.addi %add3A_157, %get3A_161 : vector<16xi32>
      %get3A_163 = arith.constant 14 : i32
      %get3A_164 = arith.index_cast %get3A_163 : i32 to index
      %get3A_165 = arith.constant 0 : index
      %get3A_166 = tpu.vector_load %arg6[%get3A_164, %get3A_165] {strides = array<i32>} : memref<16x16xi32, #tpu.memory_space<vmem>>, vector<16xi32>,
      %add3A_167 = arith.addi %add3A_162, %get3A_166 : vector<16xi32>
      %get3A_168 = arith.constant 15 : i32
      %get3A_169 = arith.index_cast %get3A_168 : i32 to index
      %get3A_170 = arith.constant 0 : index
      %get3A_171 = tpu.vector_load %arg6[%get3A_169, %get3A_170] {strides = array<i32>} : memref<16x16xi32, #tpu.memory_space<vmem>>, vector<16xi32>,
      %add3A_172 = arith.addi %add3A_167, %get3A_171 : vector<16xi32>
      %sub3A_173 = arith.constant 1 : i32
      %sub3A_174 = vector.broadcast %sub3A_173 : i32 to vector<16xi32>
      %sub3A_175 = arith.subi %add3A_172, %sub3A_174 : vector<16xi32>
      %max3A = arith.constant 0 : i32
      %max3A_176 = vector.broadcast %max3A : i32 to vector<16xi32>
      %max3A_177 = arith.maxsi %sub3A_175, %max3A_176 : vector<16xi32>
      %min3A = arith.constant 2047 : i32
      %min3A_178 = vector.broadcast %min3A : i32 to vector<16xi32>
      %min3A_179 = arith.minsi %max3A_177, %min3A_178 : vector<16xi32>
      %slice3A = vector.extract_strided_slice %min3A_179 {offsets = [0], sizes = [1], strides = [1]} : vector<16xi32> to vector<1xi32>
      %squeeze3A = vector.extract %slice3A[0] : i32 from vector<1xi32>
      %add3A_180 = arith.constant 14 : i32
      %add3A_181 = arith.addi %add3A_180, %add3A : i32
      %mul3A_182 = arith.constant 2048 : i32
      %mul3A_183 = arith.muli %add3A_181, %mul3A_182 : i32
      %add3A_184 = arith.addi %mul3A_183, %squeeze3A : i32
      "tpu.region"() ({
        %run_scoped3A = tpu.sem_alloc : memref<!tpu.dma_semaphore, #tpu.memory_space<semaphore_mem>>
        %dma_start3A_185 = arith.constant 0 : i32
        %dma_start3A_186 = tpu.memref_slice %arg2[%add3A_184, %dma_start3A_185] : memref<32768x1024xf32, #tpu.memory_space<hbm>> -> memref<1x1024xf32, #tpu.memory_space<hbm>>
        %dma_start3A_187 = arith.constant 0 : i32
        %dma_start3A_188 = tpu.memref_slice %arg2[%add3A_184, %dma_start3A_187] : memref<32768x1024xf32, #tpu.memory_space<hbm>> -> memref<1x1024xf32, #tpu.memory_space<hbm>>
        tpu.enqueue_dma source(%dma_start3A_188 : memref<1x1024xf32, #tpu.memory_space<hbm>>) target(%arg7 : memref<1x1024xf32, #tpu.memory_space<vmem>>) target_semaphore(%run_scoped3A : memref<!tpu.dma_semaphore, #tpu.memory_space<semaphore_mem>>)
        %dma_wait3A = arith.constant 0 : i32
        %dma_wait3A_189 = tpu.memref_slice %arg2[%add3A_184, %dma_wait3A] : memref<32768x1024xf32, #tpu.memory_space<hbm>> -> memref<1x1024xf32, #tpu.memory_space<hbm>>
        %dma_wait3A_190 = arith.constant 0 : i32
        %dma_wait3A_191 = tpu.memref_slice %arg2[%add3A_184, %dma_wait3A_190] : memref<32768x1024xf32, #tpu.memory_space<hbm>> -> memref<1x1024xf32, #tpu.memory_space<hbm>>
        tpu.wait_dma2 semaphore(%run_scoped3A : memref<!tpu.dma_semaphore, #tpu.memory_space<semaphore_mem>>) src(%dma_wait3A_191 : memref<1x1024xf32, #tpu.memory_space<hbm>>) dst(%arg7 : memref<1x1024xf32, #tpu.memory_space<vmem>>)
        tpu.yield
      }) : () -> ()
      "tpu.region"() ({
        %run_scoped3A = tpu.sem_alloc : memref<!tpu.dma_semaphore, #tpu.memory_space<semaphore_mem>>
        %dma_start3A_185 = arith.constant 0 : i32
        %dma_start3A_186 = tpu.memref_slice %arg3[%add3A, %dma_start3A_185] : memref<2x1024xf32, #tpu.memory_space<hbm>> -> memref<1x1024xf32, #tpu.memory_space<hbm>>
        %dma_start3A_187 = arith.constant 0 : i32
        %dma_start3A_188 = tpu.memref_slice %arg3[%add3A, %dma_start3A_187] : memref<2x1024xf32, #tpu.memory_space<hbm>> -> memref<1x1024xf32, #tpu.memory_space<hbm>>
        tpu.enqueue_dma source(%arg7 : memref<1x1024xf32, #tpu.memory_space<vmem>>) target(%dma_start3A_188 : memref<1x1024xf32, #tpu.memory_space<hbm>>) target_semaphore(%run_scoped3A : memref<!tpu.dma_semaphore, #tpu.memory_space<semaphore_mem>>)
        %dma_wait3A = arith.constant 0 : i32
        %dma_wait3A_189 = tpu.memref_slice %arg3[%add3A, %dma_wait3A] : memref<2x1024xf32, #tpu.memory_space<hbm>> -> memref<1x1024xf32, #tpu.memory_space<hbm>>
        %dma_wait3A_190 = arith.constant 0 : i32
        %dma_wait3A_191 = tpu.memref_slice %arg3[%add3A, %dma_wait3A_190] : memref<2x1024xf32, #tpu.memory_space<hbm>> -> memref<1x1024xf32, #tpu.memory_space<hbm>>
        tpu.wait_dma2 semaphore(%run_scoped3A : memref<!tpu.dma_semaphore, #tpu.memory_space<semaphore_mem>>) src(%arg7 : memref<1x1024xf32, #tpu.memory_space<vmem>>) dst(%dma_wait3A_191 : memref<1x1024xf32, #tpu.memory_space<hbm>>)
        tpu.yield
      }) : () -> ()
    } else {
    }
    return
  }
}

module attributes {stable_mosaic.version = 14 : i64} {
  func.func @_tc_body(%arg0: i32, %arg1: memref<1x2048x1024xf32, #tpu.memory_space<vmem>>, %arg2: memref<14x1024xf32, #tpu.memory_space<vmem>>) attributes {dimension_semantics = [#tpu.dimension_semantics<arbitrary>], iteration_bounds = array<i64: 14>, scalar_prefetch = 0 : i64, scratch_operands = 0 : i64, tpu.core_type = #tpu.core_type<tc>, window_params = [{transform_indices = @transform_0, window_bounds = array<i64: 1, 2048, 1024>}, {pipeline_mode = #tpu.pipeline_mode<synchronous>, transform_indices = @transform_1, window_bounds = array<i64: 14, 1024>}]} {
    %get3A = arith.constant 0 : index
    %get3A_0 = arith.constant 0 : index
    %get3A_1 = arith.constant 0 : index
    %get3A_2 = vector.load %arg1[%get3A, %get3A_0, %get3A_1] : memref<1x2048x1024xf32, #tpu.memory_space<vmem>>, vector<1x2048x1024xf32>
    %get3A_3 = vector.shape_cast %get3A_2 : vector<1x2048x1024xf32> to vector<2048x1024xf32>
    %abs3A = math.absf %get3A_3 : vector<2048x1024xf32>
    %reduce_max3A = arith.constant dense<0xFF800000> : vector<2048xf32>
    %reduce_max3A_4 = vector.multi_reduction <maximumf>, %abs3A, %reduce_max3A [1] : vector<2048x1024xf32> to vector<2048xf32>
    %gt3A = arith.constant 0.000000e+00 : f32
    %gt3A_5 = vector.broadcast %gt3A : f32 to vector<2048xf32>
    %gt3A_6 = arith.cmpf ogt, %reduce_max3A_4, %gt3A_5 : vector<2048xf32>
    %convert_element_type3A = arith.extui %gt3A_6 : vector<2048xi1> to vector<2048xi32>
    %reduce_sum3A = vector.shape_cast %convert_element_type3A : vector<2048xi32> to vector<1x2048xi32>
    %reduce_sum3A_7 = arith.constant dense<0> : vector<1xi32>
    %reduce_sum3A_8 = vector.multi_reduction <add>, %reduce_sum3A, %reduce_sum3A_7 [1] : vector<1x2048xi32> to vector<1xi32>
    %reduce_sum3A_9 = vector.shape_cast %reduce_sum3A_8 : vector<1xi32> to vector<1x1xi32>
    %reduce_sum3A_10 = vector.extract %reduce_sum3A_9[0, 0] : i32 from vector<1x1xi32>
    %sub3A = arith.constant 1 : i32
    %sub3A_11 = arith.subi %reduce_sum3A_10, %sub3A : i32
    %max3A = arith.constant 0 : i32
    %max3A_12 = arith.maxsi %sub3A_11, %max3A : i32
    %get3A_13 = arith.constant 0 : index
    %get3A_14 = arith.index_cast %max3A_12 : i32 to index
    %get3A_15 = arith.constant 0 : index
    %get3A_16 = vector.load %arg1[%get3A_13, %get3A_14, %get3A_15] : memref<1x2048x1024xf32, #tpu.memory_space<vmem>>, vector<1x1x1024xf32>
    %get3A_17 = vector.shape_cast %get3A_16 : vector<1x1x1024xf32> to vector<1x1024xf32>
    %swap3A = arith.index_cast %arg0 : i32 to index
    %swap3A_18 = arith.constant 0 : index
    %swap3A_19 = vector.load %arg2[%swap3A, %swap3A_18] : memref<14x1024xf32, #tpu.memory_space<vmem>>, vector<1x1024xf32>
    tpu.vector_store %arg2[%swap3A, %swap3A_18], %get3A_17 {strides = array<i32>} : memref<14x1024xf32, #tpu.memory_space<vmem>>, vector<1x1024xf32>,
    return
  }
  func.func @transform_0(%arg0: i32) -> (i32, i32, i32) {
    %c0_i32 = arith.constant 0 : i32
    %c0_i32_0 = arith.constant 0 : i32
    %c0_i32_1 = arith.constant 0 : i32
    return %arg0, %c0_i32, %c0_i32_0 : i32, i32, i32
  }
  func.func @transform_1(%arg0: i32) -> (i32, i32) {
    %c0_i32 = arith.constant 0 : i32
    %c0_i32_0 = arith.constant 0 : i32
    %c0_i32_1 = arith.constant 0 : i32
    return %c0_i32, %c0_i32_0 : i32, i32
  }
}

</mosaic_0001>

<sc_bundles>
// kernel: kernel.4.cloned.1.call-start
scs
__scs_entry_jumppad:
0x0: {  	(pc) =	sbr.rel $0x88, $3  }
0x1: {  	(tag) =	ssettag $0x0;
	lr =	simm.s32 $0x1  }
0x2: {  	[smem:$0x3FA0] =	sst lr;
	_ =	strace $0xD0000000  }
0x3: {  	_ = 	snop  }
0x4: {  	_ = 	snop  }
0x5: {  	_ = 	snop  }
0x6: {  	_ = 	snop  }
0x7: {  	_ = 	snop  }
__scs_overlays_trampoline_lowered:
0x8: {  	[smem:$0x3FAF] =	sst s0  }
0x9: {  	[smem:$0x3FB0] =	sst s1  }
0xa: {  	[smem:$0x3FB1] =	sst s2  }
0xb: {  	[smem:$0x3FB2] =	sst s3  }
0xc: {  	[smem:$0x3FB3] =	sst s4  }
0xd: {  	[smem:$0x3FB4] =	sst s5  }
0xe: {  	[smem:$0x3FB5] =	sst s6  }
0xf: {  	[smem:$0x3FB6] =	sst s7  }
0x10: {  	[smem:$0x3FB7] =	sst s8  }
0x11: {  	[smem:$0x3FB8] =	sst s9;
	s0 =	simm.s32 @!p0 $0x0  }
0x12: {  	s1 =	sld [smem:$0x3F9E];
	s0 =	simm.s32 @p0 $0x1  }
0x13: {  	[smem:$0x3FB9] =	sst s0;
	s0 =	simm.s32 @!p1 $0x0  }
0x14: {  	s2 =	sld [smem:$0x3F9D];
	s0 =	simm.s32 @p1 $0x1  }
0x15: {  	[smem:$0x3FBA] =	sst s0;
	s0 =	simm.s32 @!p2 $0x0  }
0x16: {  	s3 =	sld [smem:$0x3FDB];
	s0 =	simm.s32 @p2 $0x1  }
0x17: {  	s4 =	simm.s32 $0x1BF5;
	[smem:$0x3FBC] =	sst s0  }
0x18: {  	s0 =	sld [smem:$0x3F9F];
	_ =	swait.ge [sflag:s4], $0x0  }
0x19: {  	s7 =	sld [smem:$0x3FA0]  }
0x1a: {  	s8 =	sadd.s32 $0xFFFFE003, lr  }
0x1b: {  	s9 =	sadd.s32 $0xFFFFFEF7, lr;
	s5 =	simm.s32 $0xFFFFFFFF;
	p2 =	slt.u32 s8, $0xFFFFF086  }
0x1c: {  	p1 =	slt.u32 s9, $0xF7A;
	s5 =	simm.s32 @!p2 $0x0  }
0x1d: {  	s5 =	simm.s32 @p1 $0x1;
	p0 =	seq.s32 s7, s2  }
0x1e: {  	s7 =	smul.u32 @!p0 $0xF7A, s2;
	p2 =	seq.s32 @!p0 s5, $0x0  }
0x1f: {  	s9 =	smul.u32 $0xF7A, s1;
	s8 =	simm.s32 @!p0 $0x1BF5;
	p2 =	por !p2, p0  }
0x20: {  	[sflag:s8] =	ssyncset.s32 @!p0 $0xFFFFF086;
	s6 =	sadd.s32 @!p0 s3, s7;
	s7 =	simm.s32 @!p0 $0x108  }
0x21: {  	s3 =	sadd.s32 s3, s9;
	s6 =	sadd.s32 @!p0 $0x88, s6;
	s7 =	simm.s32 @p2 $0x1082  }
0x22: {  	[simem:s7], [sflag:s8] =	dma.local @!p0 [hbm:s6], $0xF7A  }
0x23: {  	s9 =	sor.u32 $0xD0000000, s2;
	s6 =	simm.s32 $0x108;
	_ =	swait.ge @!p0 [sflag:s8], $0x0  }
0x24: {  	s3 =	sadd.s32 $0x88, s3;
	s6 =	simm.s32 @!p1 $0x1082;
	[sflag:s4] =	ssyncset.s32 $0xFFFFF086  }
0x25: {  	[simem:s6], [sflag:s4] =	dma.local [hbm:s3], $0xF7A  }
0x26: {  	[smem:$0x3FA0] =	sst s1;
	(tag) =	ssettag s2;
	_ =	strace s9  }
0x27: {  	s1 =	sld [smem:$0x3FB0]  }
0x28: {  	s2 =	sld [smem:$0x3FB1]  }
0x29: {  	s4 =	sld [smem:$0x3FB3]  }
0x2a: {  	p0 =	seq.s32 s5, $0x0;
	s5 =	sld [smem:$0x3FB4]  }
0x2b: {  	s6 =	sld [smem:$0x3FB5]  }
0x2c: {  	s7 =	sld [smem:$0x3FB6]  }
0x2d: {  	s3 =	simm.s32 $0x108;
	s8 =	sld [smem:$0x3FB7]  }
0x2e: {  	s3 =	simm.s32 @!p0 $0x1082;
	s9 =	sld [smem:$0x3FB8]  }
0x2f: {  	lr =	sadd.s32 s0, s3;
	s0 =	sld [smem:$0x3FAF]  }
0x30: {  	s3 =	sld [smem:$0x3FB2]  }
0x31: {  	[smem:$0x3FBB] =	sst s10  }
0x32: {  	s10 =	sld [smem:$0x3FB9];
	_ =	sdelay $0x3  }
0x33: {  	p0 =	seq.s32 s10, $0x1;
	s10 =	sld [smem:$0x3FBB];
	_ =	sdelay $0x3  }
0x34: {  	[smem:$0x3FBB] =	sst s10  }
0x35: {  	s10 =	sld [smem:$0x3FBA];
	_ =	sdelay $0x3  }
0x36: {  	p1 =	seq.s32 s10, $0x1;
	s10 =	sld [smem:$0x3FBB];
	_ =	sdelay $0x3  }
0x37: {  	[smem:$0x3FBB] =	sst s10  }
0x38: {  	s10 =	sld [smem:$0x3FBC]  }
0x39: {  	_ = 	snop;
	(pc) =	sbr.ind lr, $3  }
0x3a: {  	_ = 	snop  }
0x3b: {  	_ = 	snop  }
0x3c: {  	p2 =	seq.s32 s10, $0x1;
	s10 =	sld [smem:$0x3FBB]  }
0x3d: {  	_ =	shalt  }
0x3e: {  	_ =	shalt  }
0x3f: {  	_ =	shalt  }
0x40: {  	_ =	shalt  }
0x41: {  	_ =	shalt  }
0x42: {  	_ =	shalt  }
0x43: {  	_ =	shalt  }
0x44: {  	_ =	shalt  }
0x45: {  	_ =	shalt  }
0x46: {  	_ =	shalt  }
0x47: {  	_ =	shalt  }
0x48: {  	_ =	shalt  }
0x49: {  	_ =	shalt  }
0x4a: {  	_ =	shalt  }
0x4b: {  	_ =	shalt  }
0x4c: {  	_ =	shalt  }
0x4d: {  	_ =	shalt  }
0x4e: {  	_ =	shalt  }
0x4f: {  	_ =	shalt  }
0x50: {  	_ =	shalt  }
0x51: {  	_ =	shalt  }
0x52: {  	_ =	shalt  }
0x53: {  	_ =	shalt  }
0x54: {  	_ =	shalt  }
0x55: {  	_ =	shalt  }
0x56: {  	_ =	shalt  }
0x57: {  	_ =	shalt  }
0x58: {  	_ =	shalt  }
0x59: {  	_ =	shalt  }
0x5a: {  	_ =	shalt  }
0x5b: {  	_ =	shalt  }
0x5c: {  	_ =	shalt  }
0x5d: {  	_ =	shalt  }
0x5e: {  	_ =	shalt  }
0x5f: {  	_ =	shalt  }
0x60: {  	_ =	shalt  }
0x61: {  	_ =	shalt  }
0x62: {  	_ =	shalt  }
0x63: {  	_ =	shalt  }
0x64: {  	_ =	shalt  }
0x65: {  	_ =	shalt  }
0x66: {  	_ =	shalt  }
0x67: {  	_ =	shalt  }
0x68: {  	_ =	shalt  }
0x69: {  	_ =	shalt  }
0x6a: {  	_ =	shalt  }
0x6b: {  	_ =	shalt  }
0x6c: {  	_ =	shalt  }
0x6d: {  	_ =	shalt  }
0x6e: {  	_ =	shalt  }
0x6f: {  	_ =	shalt  }
0x70: {  	_ =	shalt  }
0x71: {  	_ =	shalt  }
0x72: {  	_ =	shalt  }
0x73: {  	_ =	shalt  }
0x74: {  	_ =	shalt  }
0x75: {  	_ =	shalt  }
0x76: {  	_ =	shalt  }
0x77: {  	_ =	shalt  }
0x78: {  	_ =	shalt  }
0x79: {  	_ =	shalt  }
0x7a: {  	_ =	shalt  }
0x7b: {  	_ =	shalt  }
0x7c: {  	_ =	shalt  }
0x7d: {  	_ =	shalt  }
0x7e: {  	_ =	shalt  }
0x7f: {  	_ =	shalt  }
0x80: {  	_ =	shalt  }
0x81: {  	_ =	shalt  }
0x82: {  	_ =	shalt  }
0x83: {  	_ =	shalt  }
0x84: {  	_ =	shalt  }
0x85: {  	_ =	shalt  }
0x86: {  	_ =	shalt  }
0x87: {  	_ =	shalt  }
.Lfunc_end0:
.L_simem_size_0:
called_computation_lowered:
.L_overlay_start_0:
0x88: {  	s2 =	sld [smem:$0x3FD9]  }
0x89: {  	s3 =	sld [smem:$0x3FFE];
	_ =	sdelay $0x1  }
0x8a: {  	s1 =	srdreg.scid  }
0x8b: {  	s0 =	sand.u32 $0x1, s1  }
0x8c: {  	s17 =	sshll.u32 s0, $0xA;
	s2 =	sadd.s32 s3, s2  }
0x8d: {  	s2 =	sadd.s32 s2, s17  }
0x8e: {  	[smem:$0x3FC7] =	sst s2  }
0x8f: {  	_ = 	snop  }
0x90: {  	s2 =	sld [smem:$0x3FC9];
	(tm) =	ssettm $0x1  }
0x91: {  	s18 =	sld [smem:$0x3FFB];
	_ =	sdelay $0x3  }
0x92: {  	_ =	strace s18  }
0x93: {  	s3 =	sld [smem:$0x3FFC];
	_ =	sdelay $0x3  }
0x94: {  	_ =	strace s3  }
0x95: {  	s3 =	sld [smem:$0x3FFD];
	_ =	sdelay $0x3  }
0x96: {  	_ =	strace s3  }
0x97: {  	_ =	strace $0x8FFFFFFF  }
0x98: {  	s19 =	sld [smem:$0x3FDB];
	_ =	sdelay $0x1  }
0x99: {  	s4 =	simm.s32 $_scs_section_size  }
0x9a: {  	s5 =	simm.s32 $_size__tile_overlayer_lowered;
	s6 =	simm.s32 $_tile_overlayer_lowered  }
0x9b: {  	s22 =	simm.s32 $0x1BFF;
	s21 =	sshll.u32 s6, $0x1;
	s3 =	sadd.s32 s4, s19  }
0x9c: {  	s7 =	simm.s32 $0x0;
	s20 =	sshll.u32 s5, $0x1;
	s5 =	sadd.s32 s21, s3  }
0x9d: {  	[timem:s7], [sflag:s22] =	dma.local [hbm:s5], s20  }
0x9e: {  	_ =	swait.ge [sflag:s22], s20  }
0x9f: {  	s4 =	ssub.s32 $0x0, s20;
	[sflag:s22] =	ssyncset.done $0x0  }
0xa0: {  	[sflag:s22] =	ssyncadd.s32 s4;
	_ =	sdelay $0x1  }
0xa1: {  	s23 =	simm.s32 $0x1B8B  }
0xa2: {  	_ =	swait.ge [sflag:s23], $0x1  }
0xa3: {  	[sflag:s23] =	ssyncset.done $0x0  }
0xa4: {  	s25 =	simm.s32 $0x1B8E;
	s24 =	sld [smem:$0x3FFE];
	[sflag:s23] =	ssyncadd.s32 $0xFFFFFFFF  }
0xa5: {  	s26 =	simm.s32 $execute0_lowered;
	[smem:$0x3FD2] =	sst s25  }
0xa6: {  	s5 =	sshll.u32 s26, $0x1;
	_ =	strace $0x80000046;
	[dreg:$0x1] =	wrdreg $0xFFFFFFFF  }
0xa7: {  	s28 =	simm.s32 $_size_execute0_lowered;
	s3 =	sadd.s32 s3, s5;
	[dreg:$0x0] =	wrdreg $0x0  }
0xa8: {  	s5 =	sshll.u32 s28, $0x1;
	[dreg:$0x2] =	wrdreg s3  }
0xa9: {  	[dreg:$0x3] =	wrdreg s5  }
0xaa: {  	[dreg:$0x4] =	wrdreg $0xC0  }
0xab: {  	_ =	task [dreg:s7], $0x5FFFF  }
0xac: {  	[dreg:$0x1] =	wrdreg $0xFFFFFFFF  }
0xad: {  	[dreg:$0x0] =	wrdreg $0x60  }
0xae: {  	[dreg:$0x2] =	wrdreg s2  }
0xaf: {  	[dreg:$0x3] =	wrdreg s24  }
0xb0: {  	[dreg:$0x4] =	wrdreg $0x10C800  }
0xb1: {  	[dreg:$0x5] =	wrdreg $0x9  }
0xb2: {  	_ =	task.clear_ibuf [dreg:s7], $0x6FFFF;
	_ =	strace $0x90000046  }
0xb3: {  	s29 =	simm.s32 $0x9;
	_ =	strace $0x80000048  }
0xb4: {  	_ =	swait.ge [sflag:s29], $0x1  }
0xb5: {  	[sflag:s29] =	ssyncadd.s32 $0xFFFFFFFF  }
0xb6: {  	_ =	strace $0x90000048  }
0xb7: {  	_ =	sfence  }
0xb8: {  	s30 =	sld [smem:$0x0];
	_ =	sdelay $0x2  }
0xb9: {  	s31 =	sshll.u32 s1, $0xD;
	s1 =	sshrl.u32 s1, $0x2  }
0xba: {  	s3 =	sand.u32 $0x4000, s31;
	s1 =	sadd.s32 s1, s30  }
0xbb: {  	s0 =	sor.u32 s3, s0;
	s1 =	sshll.u32 s1, $0x11  }
0xbc: {  	s0 =	sor.u32 s1, s0  }
0xbd: {  	s0 =	sadd.s32 $0x8F2B, s0  }
0xbe: {  	[sflag:s0] =	ssyncadd.remote.s32 $0x1  }
0xbf: {  	_ =	sfence.sel $0xFFFF  }
0xc0: {  	[dreg:$0x0] =	wrdreg $0xFFFFFFFF;
	(pc) =	sbr.abs _section_cstart, $3  }
0xc1: {  	[dreg:$0x1] =	wrdreg $0xFFFFFFFF  }
0xc2: {  	_ =	task.clear_ibuf [dreg:s7], $0x2FFFF;
	_ =	strace $0x9FFFFFFF  }
0xc3: {  	(tm) =	ssettm $0x7FFFFFFF  }
tec
execute0_lowered:
.L_overlay_start_1:
0x0: {  	(tag) =	ssettag $0x1  }
0x1: {  	s1 =	rddreg [dreg:$0x0]  }
0x2: {  	s4 =	rddreg [dreg:$0x1];
	s0 =	srdreg.scid  }
0x3: {  	s8 =	rddreg [dreg:$0x2];
	s2 =	simm.s32 $0x0;
	s14 =	stileid.u32  }
0x4: {  	s12 =	simm.s32 $0x1;
	s13 =	simm.s32 $0x2;
	s15 =	simm.s32 $0x3  }
0x5: {  	s16 =	simm.s32 $0x0;
	s5 =	sand.u32 $0x1, s0;
	s0 =	rddreg [dreg:$0x3]  }
0x6: {  	[smem:$0x7FF] =	sst s2;
	s6 =	sshll.u32 s14, $0xE;
	s11 =	sshll.u32 s14, $0x7  }
0x7: {  	p0 =	sne.s32 s14, $0x0;
	s14 =	simm.s32 $0x10000;
	s3 =	sshll.u32 s5, $0xB  }
0x8: {  	_ =	strace $0x80000047;
	s9 =	sshll.u32 s5, $0x4;
	s5 =	ssub.s32 $0x2, s5  }
.Ltmp0:
0x9: {  	s8 =	sadd.s32 s11, s8;
	s3 =	sor.u32 $0x7000, s3;
	(pc) =	sbr.rel .LBB2_1-.Ltmp0, $4  }
0xa: {  	s11 =	simm.s32 $0x8000;
	s31 =	sshrl.u32 s5, $0x1;
	s7 =	sshll.u32 s3, $0x7  }
0xb: {  	s9 =	sadd.s32 s9, s4;
	s10 =	ssub.s32 s5, s31;
	s6 =	sor.u32 s6, s7  }
0xc: {  	s9 =	sadd.s32 $0x400, s9;
	s10 =	smax.u32 s10, $0x1;
	s4 =	sadd.s32 s1, s6  }
0xd: {  	s5 =	sadd.s32 $0x1000, s4;
	s6 =	sadd.s32 $0x2000, s4;
	s7 =	sadd.s32 $0x3000, s4  }
.LBB2_8:
0xe: {  	[tilespmem:$0x10000] =	vst v0  }
0xf: {  	[spmem:s8] =	stream.linear.scatter [tilespmem:s14], [sflag:$0x3], $0x80, $0x38;
	[tilespmem:$0x10C90] =	vst v63  }
0x10: {  	_ =	swait.ge [sflag:s15], $0x80  }
0x11: {  	[sflag:s15] =	ssyncset.done $0x0  }
0x12: {  	[sflag:s15] =	ssyncadd.s32 $0xFFFFFF80  }
0x13: {  	s17 =	simm.s32 @!p0 $0x10080;
	[bflag:$0x0] =	sbarrier.arrive $0xFFFF  }
0x14: {  	[tilespmem:s17], [sflag:$0x3] =	stream.linear.gather @!p0 [spmem:s8], $0x800, $0x38;
	[tilespmem:$0x10C90] =	vst v63  }
0x15: {  	s17 =	simm.s32 @!p0 $0x3  }
0x16: {  	_ =	swait.ge @!p0 [sflag:s17], $0x800  }
0x17: {  	[sflag:s17] =	ssyncset.done @!p0 $0x0  }
0x18: {  	[sflag:s17] =	ssyncadd.s32 @!p0 $0xFFFFF800  }
0x19: {  	v0 =	vld @!p0 [tilespmem:$0x10080]  }
0x1a: {  	v1 =	vld @!p0 [tilespmem:$0x10100]  }
0x1b: {  	v2 =	vld @!p0 [tilespmem:$0x10180]  }
0x1c: {  	v3 =	vld @!p0 [tilespmem:$0x10200]  }
0x1d: {  	v4 =	vld @!p0 [tilespmem:$0x10280]  }
0x1e: {  	v5 =	vld @!p0 [tilespmem:$0x10300]  }
0x1f: {  	v6 =	vld @!p0 [tilespmem:$0x10380];
	v0 =	vadd.s32 @!p0 v1, v0  }
0x20: {  	v1 =	vld @!p0 [tilespmem:$0x10400];
	v0 =	vadd.s32 @!p0 v2, v0  }
0x21: {  	v2 =	vld @!p0 [tilespmem:$0x10480];
	v0 =	vadd.s32 @!p0 v3, v0  }
0x22: {  	v3 =	vld @!p0 [tilespmem:$0x10500];
	v0 =	vadd.s32 @!p0 v4, v0  }
0x23: {  	v4 =	vld @!p0 [tilespmem:$0x10580];
	v0 =	vadd.s32 @!p0 v5, v0  }
0x24: {  	v5 =	vld @!p0 [tilespmem:$0x10600];
	v0 =	vadd.s32 @!p0 v6, v0  }
0x25: {  	v6 =	vld @!p0 [tilespmem:$0x10680];
	v0 =	vadd.s32 @!p0 v1, v0  }
0x26: {  	v1 =	vld @!p0 [tilespmem:$0x10700];
	v0 =	vadd.s32 @!p0 v2, v0  }
0x27: {  	v2 =	vld @!p0 [tilespmem:$0x10780];
	v0 =	vadd.s32 @!p0 v3, v0  }
0x28: {  	v3 =	vld @!p0 [tilespmem:$0x10800];
	v0 =	vadd.s32 @!p0 v4, v0  }
0x29: {  	v0 =	vadd.s32 @!p0 v5, v0  }
0x2a: {  	v0 =	vadd.s32 @!p0 v6, v0  }
0x2b: {  	v0 =	vadd.s32 @!p0 v1, v0  }
0x2c: {  	v0 =	vadd.s32 @!p0 v2, v0  }
0x2d: {  	v0 =	vadd.s32 @!p0 v3, v0  }
0x2e: {  	v0 =	vadd.s32 @!p0 $0xFFFFFFFF, v0  }
0x2f: {  	vm0 =	vgt.s32 @!p0 v0, $0x0  }
0x30: {  	v0 =	vnsel @!p0 vm0, $0x0, v0  }
0x31: {  	v0 =	vmin.u32 @!p0 v0, $0x7FF  }
0x32: {  	(v2sf) =	vpush @!p0 v0, $0x0;
	_ =	sdelay $0xe  }
0x33: {  	s18 =	spop @!p0 (v2sf)  }
0x34: {  	s19 =	sor.u32 @!p0 s3, s18;
	s18 =	sshll.u32 @!p0 s18, $0x4  }
0x35: {  	s19 =	sshll.u32 @!p0 s19, $0x7;
	s18 =	sand.u32 @!p0 $0x70, s18  }
0x36: {  	s20 =	simm.s32 @!p0 $0x400;
	s19 =	sand.u32 @!p0 $0x3FFC00, s19;
	s18 =	sadd.s32 @!p0 s1, s18  }
0x37: {  	s21 =	simm.s32 @!p0 $0x10880;
	s18 =	sadd.s32 @!p0 s19, s18;
	s19 =	simm.s32 @!p0 $0x80  }
0x38: {  	[tilespmem:s21], [sflag:$0x3] =	stream.strided.gather @!p0 [hbm4b:s18+s19], $0x400, s20, s19, $0x38;
	[tilespmem:$0x10C90] =	vst v63  }
0x39: {  	s16 =	sadd.s32 $0x1, s16;
	_ =	swait.ge @!p0 [sflag:s17], $0x400  }
0x3a: {  	p1 =	sne.s32 s16, s10;
	[sflag:s17] =	ssyncset.done @!p0 $0x0  }
.Ltmp1:
0x3b: {  	s18 =	simm.s32 @!p0 $0x100;
	[sflag:s17] =	ssyncadd.s32 @!p0 $0xFFFFFC00;
	(pc) =	sbr.rel @!p1 .LBB2_9-.Ltmp1, $4  }
0x3c: {  	[hbm4b:s9+s19] =	stream.strided.scatter @!p0 [tilespmem:s21], [sflag:$0x3], $0x400, s18, s19, $0x38;
	[tilespmem:$0x10C90] =	vst v63  }
0x3d: {  	_ =	swait.ge @!p0 [sflag:s17], $0x400  }
0x3e: {  	[sflag:s17] =	ssyncset.done @!p0 $0x0  }
0x3f: {  	[sflag:s17] =	ssyncadd.s32 @!p0 $0xFFFFFC00  }
.LBB2_1:
0x40: {  	[tilespmem:s2], [sflag:$0x1] =	stream.linear.gather [hbm4b:s4+s2], $0x8000, $0x38;
	[tilespmem:$0x10C90] =	vst v63  }
0x41: {  	p1 =	por $0x1, $0x1;
	v0 =	vimm.s32 $0x0;
	s18 =	smov.u32 s5  }
.LBB2_2:
0x42: {  	s17 =	simm.s32 $0x0  }
0x43: {  	[tilespmem:s11], [sflag:$0x2] =	stream.linear.gather [hbm4b:s18+s17], $0x8000, $0x38;
	[tilespmem:$0x10C90] =	vst v63  }
0x44: {  	s22 =	simm.s32 $0x0;
	_ =	swait.ge [sflag:s12], $0x8000  }
0x45: {  	s18 =	sand.u32 $0x6000, s22;
	s19 =	sand.u32 $0x380, s17;
	[sflag:s12] =	ssyncset.done $0x0  }
0x46: {  	s18 =	sor.u32 s19, s18;
	[sflag:s12] =	ssyncadd.s32 $0xFFFF8000  }
0x47: {  	v1 =	vld [tilespmem:s18+$0x1840]  }
0x48: {  	v2 =	vld [tilespmem:s18+$0x1850]  }
0x49: {  	v4 =	vld [tilespmem:s18+$0x1860]  }
0x4a: {  	v5 =	vld [tilespmem:s18+$0x1870]  }
0x4b: {  	v6 =	vld [tilespmem:s18+$0x1800]  }
0x4c: {  	v8 =	vld [tilespmem:s18+$0x1810]  }
0x4d: {  	v9 =	vld [tilespmem:s18+$0x1820]  }
0x4e: {  	v11 =	vld [tilespmem:s18+$0x1830]  }
0x4f: {  	v10 =	vld [tilespmem:s18+$0x1440]  }
0x50: {  	v12 =	vld [tilespmem:s18+$0x1450]  }
0x51: {  	v14 =	vld [tilespmem:s18+$0x1460]  }
0x52: {  	v15 =	vld [tilespmem:s18+$0x1470]  }
0x53: {  	v13 =	vld [tilespmem:s18+$0x1400]  }
0x54: {  	v16 =	vld [tilespmem:s18+$0x1410]  }
0x55: {  	v17 =	vld [tilespmem:s18+$0x1420]  }
0x56: {  	v18 =	vld [tilespmem:s18+$0x1430]  }
0x57: {  	v19 =	vld [tilespmem:s18+$0x1040]  }
0x58: {  	v20 =	vld [tilespmem:s18+$0x1050]  }
0x59: {  	v21 =	vld [tilespmem:s18+$0x1060]  }
0x5a: {  	v23 =	vld [tilespmem:s18+$0x1070]  }
0x5b: {  	v22 =	vld [tilespmem:s18+$0x1000]  }
0x5c: {  	v24 =	vld [tilespmem:s18+$0x1010]  }
0x5d: {  	v25 =	vld [tilespmem:s18+$0x1020]  }
0x5e: {  	v27 =	vld [tilespmem:s18+$0x1030]  }
0x5f: {  	v26 =	vld [tilespmem:s18+$0xC40]  }
0x60: {  	v28 =	vld [tilespmem:s18+$0xC50]  }
0x61: {  	v29 =	vld [tilespmem:s18+$0xC60]  }
0x62: {  	v30 =	vld [tilespmem:s18+$0xC70]  }
0x63: {  	v31 =	vld [tilespmem:s18+$0xC00]  }
0x64: {  	v32 =	vld [tilespmem:s18+$0xC10]  }
0x65: {  	v33 =	vld [tilespmem:s18+$0xC20]  }
0x66: {  	v35 =	vld [tilespmem:s18+$0xC30]  }
0x67: {  	v34 =	vld [tilespmem:s18+$0x840]  }
0x68: {  	v36 =	vld [tilespmem:s18+$0x850]  }
0x69: {  	v40 =	vld [tilespmem:s18+$0x860]  }
0x6a: {  	v42 =	vld [tilespmem:s18+$0x870]  }
0x6b: {  	v39 =	vld [tilespmem:s18+$0x800]  }
0x6c: {  	v43 =	vld [tilespmem:s18+$0x810]  }
0x6d: {  	v44 =	vld [tilespmem:s18+$0x820]  }
0x6e: {  	v52 =	vld [tilespmem:s18+$0x440]  }
0x6f: {  	v53 =	vld [tilespmem:s18+$0x450]  }
0x70: {  	v54 =	vld [tilespmem:s18+$0x460]  }
0x71: {  	v58 =	vld [tilespmem:s18+$0x470]  }
0x72: {  	v60 =	vld [tilespmem:s18+$0x400]  }
0x73: {  	v55 =	vld [tilespmem:s18+$0x410]  }
0x74: {  	v62 =	vld [tilespmem:s18+$0x420];
	v1 =	vand.u32 $0x7FFFFFFF, v1  }
0x75: {  	v57 =	vld [tilespmem:s18+$0x430];
	v13 =	vand.u32 $0x7FFFFFFF, v13;
	v19 =	vand.u32 $0x7FFFFFFF, v19;
	v26 =	vand.u32 $0x7FFFFFFF, v26  }
0x76: {  	v49 =	vld [tilespmem:s18+$0x10];
	v28 =	vand.u32 $0x7FFFFFFF, v28;
	v31 =	vand.u32 $0x7FFFFFFF, v31;
	[tilespmem:$0x1FF40] =	vst v1;
	v1 =	vand.u32 $0x7FFFFFFF, v2  }
0x77: {  	v48 =	vld [tilespmem:s18+$0x20];
	v34 =	vand.u32 $0x7FFFFFFF, v34;
	v39 =	vand.u32 $0x7FFFFFFF, v39;
	[tilespmem:$0x1FF50] =	vst v1;
	v1 =	vand.u32 $0x7FFFFFFF, v4  }
0x78: {  	v47 =	vld [tilespmem:s18+$0x30];
	v45 =	vand.u32 $0x7FFFFFFF, v43;
	v44 =	vand.u32 $0x7FFFFFFF, v44;
	[tilespmem:$0x1FF60] =	vst v1;
	v1 =	vand.u32 $0x7FFFFFFF, v5  }
0x79: {  	v51 =	vld [tilespmem:s18+$0x40];
	v56 =	vand.u32 $0x7FFFFFFF, v52;
	v53 =	vand.u32 $0x7FFFFFFF, v53;
	[tilespmem:$0x1FF70] =	vst v1;
	v1 =	vand.u32 $0x7FFFFFFF, v6  }
0x7a: {  	s23 =	sand.u32 $0x7, s17;
	v50 =	vld [tilespmem:s18+$0x60];
	v54 =	vand.u32 $0x7FFFFFFF, v54;
	v61 =	vand.u32 $0x7FFFFFFF, v60;
	[tilespmem:$0x1FF80] =	vst v1;
	v1 =	vand.u32 $0x7FFFFFFF, v8  }
0x7b: {  	s19 =	sshll.u32 s23, $0x7;
	v46 =	vld [tilespmem:s18+$0x830];
	v60 =	vand.u32 $0x7FFFFFFF, v55;
	v58 =	vand.u32 $0x7FFFFFFF, v58;
	[tilespmem:$0x1FF90] =	vst v1;
	v1 =	vand.u32 $0x7FFFFFFF, v9  }
0x7c: {  	s19 =	sadd.s32 $0x0, s19;
	v59 =	vld [tilespmem:s18+$0x0];
	v62 =	vand.u32 $0x7FFFFFFF, v62;
	v63 =	vand.u32 $0x7FFFFFFF, v57;
	[tilespmem:$0x1FFA0] =	vst v1;
	v1 =	vand.u32 $0x7FFFFFFF, v10  }
0x7d: {  	s24 =	sor.u32 $0x1C40, s19;
	v41 =	vld [tilespmem:s18+$0x70];
	v49 =	vand.u32 $0x7FFFFFFF, v49;
	v48 =	vand.u32 $0x7FFFFFFF, v48;
	[tilespmem:$0x1FFB0] =	vst v1;
	v1 =	vand.u32 $0x7FFFFFFF, v12  }
0x7e: {  	s25 =	sor.u32 $0x1C50, s19;
	v37 =	vld [tilespmem:s24+$0x0];
	v47 =	vand.u32 $0x7FFFFFFF, v47;
	v51 =	vand.u32 $0x7FFFFFFF, v51;
	[tilespmem:$0x1FFC0] =	vst v1;
	v1 =	vand.u32 $0x7FFFFFFF, v11  }
0x7f: {  	s28 =	sor.u32 $0x1C70, s19;
	v38 =	vld [tilespmem:s25+$0x0];
	v50 =	vand.u32 $0x7FFFFFFF, v50;
	[tilespmem:$0x1FFD0] =	vst v1;
	v1 =	vand.u32 $0x7FFFFFFF, v14;
	v14 =	vand.u32 $0x7FFFFFFF, v18  }
0x80: {  	v43 =	vld [tilespmem:s28+$0x0];
	v18 =	vand.u32 $0x7FFFFFFF, v21;
	v21 =	vand.u32 $0x7FFFFFFF, v22;
	[tilespmem:$0x1FFE0] =	vst v1;
	v1 =	vand.u32 $0x7FFFFFFF, v15  }
0x81: {  	s20 =	sor.u32 $0x1C00, s19;
	v22 =	vand.u32 $0x7FFFFFFF, v24;
	v24 =	vand.u32 $0x7FFFFFFF, v27;
	v27 =	vand.u32 $0x7FFFFFFF, v29;
	[tilespmem:$0x1FFF0] =	vst v1;
	v1 =	vld [tilespmem:s18+$0x50]  }
0x82: {  	s29 =	sor.u32 $0x1C10, s19;
	v52 =	vld [tilespmem:s20+$0x0];
	v29 =	vand.u32 $0x7FFFFFFF, v32;
	v32 =	vand.u32 $0x7FFFFFFF, v35;
	v35 =	vand.u32 $0x7FFFFFFF, v40  }
0x83: {  	s30 =	sor.u32 $0x1C20, s19;
	v55 =	vld [tilespmem:s29+$0x0];
	v15 =	vand.u32 $0x7FFFFFFF, v16;
	v16 =	vand.u32 $0x7FFFFFFF, v17;
	v17 =	vand.u32 $0x7FFFFFFF, v20  }
0x84: {  	s26 =	sor.u32 $0x1C60, s19;
	v57 =	vld [tilespmem:s30+$0x0];
	v20 =	vand.u32 $0x7FFFFFFF, v23;
	v23 =	vand.u32 $0x7FFFFFFF, v25;
	v25 =	vand.u32 $0x7FFFFFFF, v30  }
0x85: {  	s31 =	sor.u32 $0x1C30, s19;
	v40 =	vld [tilespmem:s26+$0x0];
	v30 =	vand.u32 $0x7FFFFFFF, v33;
	v33 =	vand.u32 $0x7FFFFFFF, v36;
	v36 =	vand.u32 $0x7FFFFFFF, v42  }
0x86: {  	s19 =	simm.s32 $0x80;
	s20 =	simm.s32 $0x0;
	v12 =	vmovc v0;
	v42 =	vand.u32 $0x7FFFFFFF, v46;
	v46 =	vand.u32 $0x7FFFFFFF, v59;
	v59 =	vld [tilespmem:s31+$0x0];
	s18 =	simm.s32 $0xFFFF8400;
	v1 =	vand.u32 $0x7FFFFFFF, v1  }
.LBB2_3:
0x87: {  	v5 =	vld [tilespmem:$0x1FFB0]  }
0x88: {  	v9 =	vmax.f32 v46, v51;
	v51 =	vld [tilespmem:$0x1FFC0]  }
0x89: {  	v6 =	vld [tilespmem:$0x1FFD0]  }
0x8a: {  	v1 =	vmax.f32 v49, v1;
	v8 =	vld [tilespmem:$0x1FF40]  }
0x8b: {  	v1 =	vmax.f32 v1, v60;
	v60 =	vld [tilespmem:$0x1FFA0]  }
0x8c: {  	s21 =	sadd.s32 $0x8000, s18;
	v46 =	vmax.f32 v9, v61;
	v61 =	vld [tilespmem:$0x1FF50]  }
0x8d: {  	s22 =	sand.u32 $0x380, s19;
	s21 =	sand.u32 $0x6000, s21;
	v1 =	vmax.f32 v1, v53;
	v53 =	vld [tilespmem:$0x1FFE0]  }
0x8e: {  	s21 =	sor.u32 s22, s21;
	v46 =	vmax.f32 v46, v56;
	v56 =	vld [tilespmem:$0x1FF80]  }
0x8f: {  	v46 =	vmax.f32 v46, v39;
	v39 =	vld [tilespmem:s21+$0x1810]  }
0x90: {  	v1 =	vmax.f32 v1, v45;
	v45 =	vld [tilespmem:s21+$0x860]  }
0x91: {  	v10 =	vmax.f32 v48, v50;
	v48 =	vld [tilespmem:s21+$0x810]  }
0x92: {  	v49 =	vld [tilespmem:s21+$0x820]  }
0x93: {  	v50 =	vld [tilespmem:s21+$0x830]  }
0x94: {  	v2 =	vand.u32 $0x7FFFFFFF, v37;
	v37 =	vld [tilespmem:s21+$0x1840]  }
0x95: {  	v3 =	vand.u32 $0x7FFFFFFF, v38;
	v38 =	vld [tilespmem:s21+$0x1850]  }
0x96: {  	v4 =	vand.u32 $0x7FFFFFFF, v40;
	v40 =	vld [tilespmem:s21+$0x1860]  }
0x97: {  	v1 =	vmax.f32 v1, v33;
	v33 =	vld [tilespmem:s21+$0x1820]  }
0x98: {  	v0 =	vand.u32 $0x7FFFFFFF, v43;
	v43 =	vmax.f32 v10, v62;
	v62 =	vld [tilespmem:$0x1FF60]  }
0x99: {  	v34 =	vmax.f32 v46, v34;
	v46 =	vld [tilespmem:s21+$0x870]  }
0x9a: {  	v11 =	vmax.f32 v43, v54;
	v43 =	vld [tilespmem:s21+$0x1800]  }
0x9b: {  	v34 =	vmax.f32 v34, v31;
	v31 =	vld [tilespmem:s21+$0x1830]  }
0x9c: {  	v41 =	vand.u32 $0x7FFFFFFF, v41;
	v1 =	vmax.f32 v1, v29;
	v29 =	vld [tilespmem:s21+$0x1440]  }
0x9d: {  	v41 =	vmax.f32 v47, v41;
	v54 =	vld [tilespmem:$0x1FFF0]  }
0x9e: {  	v47 =	vmax.f32 v41, v63;
	v41 =	vld [tilespmem:s21+$0x1870]  }
0x9f: {  	v34 =	vmax.f32 v34, v26;
	v26 =	vld [tilespmem:s21+$0x1450]  }
0xa0: {  	v63 =	vld [tilespmem:$0x1FF70]  }
0xa1: {  	v1 =	vmax.f32 v1, v28;
	v28 =	vmax.f32 v34, v21;
	v21 =	vld [tilespmem:s21+$0x1460]  }
0xa2: {  	v47 =	vmax.f32 v47, v58;
	v58 =	vld [tilespmem:$0x1FF90]  }
0xa3: {  	v44 =	vmax.f32 v11, v44;
	v34 =	vld [tilespmem:s21+$0xC10]  }
0xa4: {  	v35 =	vmax.f32 v44, v35;
	v44 =	vld [tilespmem:s21+$0x850]  }
0xa5: {  	v19 =	vmax.f32 v28, v19;
	v28 =	vld [tilespmem:s21+$0xC50]  }
0xa6: {  	v30 =	vmax.f32 v35, v30;
	v35 =	vld [tilespmem:s21+$0xC20]  }
0xa7: {  	v42 =	vmax.f32 v47, v42;
	v47 =	vld [tilespmem:s21+$0x800]  }
0xa8: {  	v27 =	vmax.f32 v30, v27;
	v30 =	vld [tilespmem:s21+$0xC60]  }
0xa9: {  	v1 =	vmax.f32 v1, v22;
	v36 =	vmax.f32 v42, v36;
	v42 =	vld [tilespmem:s21+$0x840]  }
0xaa: {  	v1 =	vmax.f32 v1, v17;
	v22 =	vmax.f32 v27, v23;
	v27 =	vld [tilespmem:s21+$0xC40]  }
0xab: {  	v1 =	vmax.f32 v1, v15;
	v32 =	vmax.f32 v36, v32;
	v36 =	vld [tilespmem:s21+$0xC30]  }
0xac: {  	v1 =	vmax.f32 v1, v51;
	v51 =	vld [tilespmem:s21+$0x440]  }
0xad: {  	v13 =	vmax.f32 v19, v13;
	v17 =	vmax.f32 v22, v18;
	v22 =	vld [tilespmem:s21+$0x1050]  }
0xae: {  	v9 =	vmax.f32 v13, v5;
	v25 =	vmax.f32 v32, v25;
	v32 =	vld [tilespmem:s21+$0xC70]  }
0xaf: {  	v7 =	vmax.f32 v9, v56;
	v9 =	vld [tilespmem:s21+$0x40]  }
0xb0: {  	v23 =	vmax.f32 v25, v24;
	v24 =	vld [tilespmem:s21+$0x1470]  }
0xb1: {  	v15 =	vmax.f32 v17, v16;
	v16 =	vld [tilespmem:s21+$0x1410]  }
0xb2: {  	v17 =	vld [tilespmem:s21+$0x1420]  }
0xb3: {  	v25 =	vld [tilespmem:s21+$0x1070]  }
0xb4: {  	v1 =	vmax.f32 v1, v58;
	v58 =	vld [tilespmem:s21+$0x400]  }
0xb5: {  	v7 =	vmax.f32 v7, v8;
	v8 =	vld [tilespmem:s21+$0x30]  }
0xb6: {  	s17 =	sadd.s32 $0x1, s17;
	v18 =	vmax.f32 v23, v20;
	v20 =	vld [tilespmem:s21+$0x1400]  }
0xb7: {  	s23 =	sand.u32 $0x7, s17;
	v52 =	vand.u32 $0x7FFFFFFF, v52;
	v55 =	vand.u32 $0x7FFFFFFF, v55;
	v23 =	vld [tilespmem:s21+$0x1060]  }
0xb8: {  	s20 =	sadd.s32 $0x400, s20;
	s22 =	sshll.u32 s23, $0x7;
	v57 =	vand.u32 $0x7FFFFFFF, v57;
	v59 =	vand.u32 $0x7FFFFFFF, v59;
	v10 =	vmax.f32 v15, v53;
	v53 =	vld [tilespmem:s21+$0x450]  }
0xb9: {  	s22 =	sadd.s32 s22, s20;
	v56 =	vand.u32 $0x7FFFFFFF, v31;
	v7 =	vmax.f32 v7, v52;
	v14 =	vmax.f32 v18, v14;
	v18 =	vld [tilespmem:s21+$0x1040]  }
0xba: {  	s23 =	sor.u32 $0x1C00, s22;
	v1 =	vmax.f32 v1, v61;
	v52 =	vand.u32 $0x7FFFFFFF, v29;
	v2 =	vmax.f32 v7, v2;
	v7 =	vld [tilespmem:s21+$0x20]  }
0xbb: {  	v28 =	vand.u32 $0x7FFFFFFF, v28;
	v29 =	vand.u32 $0x7FFFFFFF, v34;
	v5 =	vmax.f32 v10, v60;
	[tilespmem:$0x1FFB0] =	vst v52;
	v52 =	vld [tilespmem:s23+$0x0]  }
0xbc: {  	v1 =	vmax.f32 v1, v55;
	v10 =	vand.u32 $0x7FFFFFFF, v37;
	v11 =	vmax.f32 v14, v54;
	v14 =	vld [tilespmem:s21+$0x1430]  }
0xbd: {  	v37 =	vand.u32 $0x7FFFFFFF, v40;
	v40 =	vand.u32 $0x7FFFFFFF, v43;
	v43 =	vand.u32 $0x7FFFFFFF, v33;
	v54 =	vld [tilespmem:s21+$0x460]  }
0xbe: {  	[tilespmem:$0x1FFD0] =	vst v56;
	v55 =	vand.u32 $0x7FFFFFFF, v26;
	v60 =	vand.u32 $0x7FFFFFFF, v21;
	v5 =	vmax.f32 v5, v62;
	v62 =	vld [tilespmem:s21+$0x420]  }
0xbf: {  	s24 =	sor.u32 $0x1C40, s22;
	v34 =	vand.u32 $0x7FFFFFFF, v42;
	v33 =	vand.u32 $0x7FFFFFFF, v44;
	v44 =	vand.u32 $0x7FFFFFFF, v49;
	[tilespmem:$0x1FF40] =	vst v10;
	v10 =	vld [tilespmem:s21+$0x50]  }
0xc0: {  	s26 =	sor.u32 $0x1C60, s22;
	v42 =	vand.u32 $0x7FFFFFFF, v50;
	v1 =	vmax.f32 v1, v3;
	[tilespmem:$0x1FF60] =	vst v37;
	v26 =	vand.u32 $0x7FFFFFFF, v27;
	v37 =	vld [tilespmem:s24+$0x0]  }
0xc1: {  	s28 =	sor.u32 $0x1C70, s22;
	[tilespmem:$0x1FF80] =	vst v40;
	v27 =	vand.u32 $0x7FFFFFFF, v30;
	v30 =	vand.u32 $0x7FFFFFFF, v35;
	v40 =	vld [tilespmem:s26+$0x0];
	v35 =	vand.u32 $0x7FFFFFFF, v45  }
0xc2: {  	[tilespmem:$0x1FFA0] =	vst v43;
	v43 =	vld [tilespmem:s28+$0x0];
	v45 =	vand.u32 $0x7FFFFFFF, v48;
	v56 =	vand.u32 $0x7FFFFFFF, v51;
	v6 =	vmax.f32 v11, v6  }
0xc3: {  	v5 =	vmax.f32 v5, v57;
	v1 =	vmax.f32 v2, v1;
	v2 =	vld [tilespmem:s21+$0x1010];
	v6 =	vmax.f32 v6, v63  }
0xc4: {  	v57 =	vld [tilespmem:s21+$0x470];
	v11 =	vand.u32 $0x7FFFFFFF, v38;
	v38 =	vand.u32 $0x7FFFFFFF, v41;
	v6 =	vmax.f32 v6, v59  }
0xc5: {  	v41 =	vand.u32 $0x7FFFFFFF, v39;
	v3 =	vmax.f32 v5, v4;
	v4 =	vld [tilespmem:s21+$0x1000];
	v0 =	vmax.f32 v6, v0  }
0xc6: {  	v39 =	vand.u32 $0x7FFFFFFF, v47;
	v51 =	vand.u32 $0x7FFFFFFF, v9;
	v63 =	vld [tilespmem:s21+$0x430];
	v0 =	vmax.f32 v3, v0  }
0xc7: {  	v5 =	vld [tilespmem:s21+$0x0];
	v61 =	vand.u32 $0x7FFFFFFF, v24;
	v15 =	vand.u32 $0x7FFFFFFF, v16;
	v0 =	vmax.f32 v1, v0  }
0xc8: {  	[tilespmem:$0x1FF50] =	vst v11;
	v16 =	vand.u32 $0x7FFFFFFF, v17;
	v17 =	vand.u32 $0x7FFFFFFF, v22;
	v11 =	vld [tilespmem:s21+$0x60];
	vm0 =	vgt.f32 v0, $0.0e+00  }
0xc9: {  	v47 =	vand.u32 $0x7FFFFFFF, v8;
	v59 =	vld [tilespmem:s21+$0x410];
	v13 =	vand.u32 $0x7FFFFFFF, v20;
	v3 =	vmpcnt.ones.xlane vm0  }
0xca: {  	v20 =	vand.u32 $0x7FFFFFFF, v25;
	v25 =	vand.u32 $0x7FFFFFFF, v32;
	v32 =	vand.u32 $0x7FFFFFFF, v36;
	v6 =	vld [tilespmem:s21+$0x10]  }
0xcb: {  	v36 =	vand.u32 $0x7FFFFFFF, v46;
	v53 =	vand.u32 $0x7FFFFFFF, v53;
	v1 =	vld [tilespmem:s21+$0x1020];
	vm0 =	vlt.s32 v3, $0x1  }
0xcc: {  	[tilespmem:$0x1FFF0] =	vst v61;
	v61 =	vand.u32 $0x7FFFFFFF, v58;
	v19 =	vand.u32 $0x7FFFFFFF, v18;
	v0 =	vld [tilespmem:s21+$0x1030];
	v3 =	vnsel vm0, $0x1, v3  }
0xcd: {  	p2 =	sne.s32 s19, $0xF80;
	s29 =	sor.u32 $0x1C10, s22;
	v18 =	vand.u32 $0x7FFFFFFF, v23;
	v48 =	vand.u32 $0x7FFFFFFF, v7;
	v12 =	vadd.s32 v12, v3;
	v3 =	vld [tilespmem:s21+$0xC00]  }
.Ltmp2:
0xce: {  	[tilespmem:$0x1FFC0] =	vst v55;
	v55 =	vld [tilespmem:s29+$0x0];
	v14 =	vand.u32 $0x7FFFFFFF, v14;
	v54 =	vand.u32 $0x7FFFFFFF, v54;
	v62 =	vand.u32 $0x7FFFFFFF, v62;
	(pc) =	sbr.rel @p2 .LBB2_3-.Ltmp2, $4  }
0xcf: {  	s25 =	sor.u32 $0x1C50, s22;
	[tilespmem:$0x1FF90] =	vst v41;
	v41 =	vld [tilespmem:s21+$0x70];
	v22 =	vand.u32 $0x7FFFFFFF, v2;
	v58 =	vand.u32 $0x7FFFFFFF, v57;
	v21 =	vand.u32 $0x7FFFFFFF, v4  }
0xd0: {  	s30 =	sor.u32 $0x1C20, s22;
	[tilespmem:$0x1FF70] =	vst v38;
	v38 =	vld [tilespmem:s25+$0x0];
	v46 =	vand.u32 $0x7FFFFFFF, v5;
	v63 =	vand.u32 $0x7FFFFFFF, v63;
	v50 =	vand.u32 $0x7FFFFFFF, v11  }
0xd1: {  	s31 =	sor.u32 $0x1C30, s22;
	[tilespmem:$0x1FFE0] =	vst v60;
	v57 =	vld [tilespmem:s30+$0x0];
	v60 =	vand.u32 $0x7FFFFFFF, v59;
	v49 =	vand.u32 $0x7FFFFFFF, v6;
	v23 =	vand.u32 $0x7FFFFFFF, v1  }
0xd2: {  	s18 =	sadd.s32 $0x400, s18;
	s19 =	sadd.s32 $0x80, s19;
	v59 =	vld [tilespmem:s31+$0x0];
	v1 =	vand.u32 $0x7FFFFFFF, v10;
	v24 =	vand.u32 $0x7FFFFFFF, v0;
	v31 =	vand.u32 $0x7FFFFFFF, v3  }
0xd3: {  	s17 =	simm.s32 @p1 $0x0  }
0xd4: {  	[tilespmem:s17], [sflag:$0x1] =	stream.linear.gather @p1 [hbm4b:s6+s17], $0x8000, $0x38;
	[tilespmem:$0x10C90] =	vst v63  }
0xd5: {  	s30 =	simm.s32 $0x0;
	_ =	swait.ge [sflag:s13], $0x8000  }
0xd6: {  	s18 =	sor.u32 s30, s30;
	[sflag:s13] =	ssyncset.done $0x0  }
0xd7: {  	s20 =	sor.u32 $0x9C00, s18;
	[sflag:s13] =	ssyncadd.s32 $0xFFFF8000  }
0xd8: {  	v0 =	vld [tilespmem:s20+$0x0];
	_ =	sdelay $0x4  }
0xd9: {  	[tilespmem:$0x1FE60] =	vst v0;
	v0 =	vld [tilespmem:s20+$0x10];
	_ =	sdelay $0x4  }
0xda: {  	[tilespmem:$0x1FE70] =	vst v0;
	v0 =	vld [tilespmem:s20+$0x30];
	_ =	sdelay $0x2  }
0xdb: {  	s31 =	sand.u32 $0x6000, s30;
	s19 =	sand.u32 $0x380, s30  }
0xdc: {  	s19 =	sor.u32 s19, s31  }
0xdd: {  	[tilespmem:$0x1FE80] =	vst v0;
	v0 =	vld [tilespmem:s19+$0x9860];
	_ =	sdelay $0x4  }
0xde: {  	[tilespmem:$0x1FEA0] =	vst v0;
	v0 =	vld [tilespmem:s19+$0x9870];
	_ =	sdelay $0x4  }
0xdf: {  	[tilespmem:$0x1FEB0] =	vst v0;
	v0 =	vld [tilespmem:s19+$0x9810];
	_ =	sdelay $0x4  }
0xe0: {  	[tilespmem:$0x1FEC0] =	vst v0;
	v0 =	vmax.f32 v46, v51  }
0xe1: {  	v0 =	vmax.f32 v0, v61  }
0xe2: {  	v0 =	vmax.f32 v0, v56  }
0xe3: {  	v0 =	vmax.f32 v0, v39  }
0xe4: {  	v0 =	vmax.f32 v0, v34  }
0xe5: {  	v0 =	vmax.f32 v0, v31  }
0xe6: {  	v0 =	vmax.f32 v0, v26  }
0xe7: {  	v0 =	vmax.f32 v0, v21  }
0xe8: {  	v7 =	vld [tilespmem:s19+$0x9820];
	v0 =	vmax.f32 v0, v19  }
0xe9: {  	v1 =	vmax.f32 v49, v1;
	v0 =	vmax.f32 v0, v13;
	v13 =	vld [tilespmem:$0x1FFB0]  }
0xea: {  	v1 =	vmax.f32 v1, v60  }
0xeb: {  	v1 =	vmax.f32 v1, v53  }
0xec: {  	v1 =	vmax.f32 v1, v45  }
0xed: {  	v1 =	vmax.f32 v1, v33  }
0xee: {  	v1 =	vmax.f32 v1, v29;
	[tilespmem:$0x1FED0] =	vst v7;
	v7 =	vmax.f32 v48, v50;
	v0 =	vmax.f32 v0, v13;
	v13 =	vld [tilespmem:$0x1FFC0]  }
0xef: {  	v1 =	vmax.f32 v1, v28;
	v7 =	vmax.f32 v7, v62  }
0xf0: {  	v1 =	vmax.f32 v1, v22;
	v7 =	vmax.f32 v7, v54  }
0xf1: {  	v1 =	vmax.f32 v1, v17;
	v7 =	vmax.f32 v7, v44  }
0xf2: {  	v6 =	vand.u32 $0x7FFFFFFF, v41;
	v1 =	vmax.f32 v1, v15;
	v7 =	vmax.f32 v7, v35  }
0xf3: {  	v6 =	vmax.f32 v47, v6;
	v7 =	vmax.f32 v7, v30;
	v1 =	vmax.f32 v1, v13;
	v13 =	vld [tilespmem:$0x1FFE0]  }
0xf4: {  	v6 =	vmax.f32 v6, v63;
	v7 =	vmax.f32 v7, v27  }
0xf5: {  	v6 =	vmax.f32 v6, v58;
	v7 =	vmax.f32 v7, v23  }
0xf6: {  	v6 =	vmax.f32 v6, v42;
	v7 =	vmax.f32 v7, v18  }
0xf7: {  	v6 =	vmax.f32 v6, v36;
	v7 =	vmax.f32 v7, v16  }
0xf8: {  	v6 =	vmax.f32 v6, v32;
	v7 =	vmax.f32 v7, v13;
	v13 =	vld [tilespmem:$0x1FFF0]  }
0xf9: {  	v6 =	vmax.f32 v6, v25  }
0xfa: {  	v6 =	vmax.f32 v6, v24  }
0xfb: {  	v6 =	vmax.f32 v6, v20  }
0xfc: {  	v6 =	vmax.f32 v6, v14  }
0xfd: {  	v6 =	vmax.f32 v6, v13;
	v13 =	vld [tilespmem:$0x1FF80];
	_ =	sdelay $0x4  }
0xfe: {  	v0 =	vmax.f32 v0, v13;
	v13 =	vld [tilespmem:$0x1FF90];
	_ =	sdelay $0x4  }
0xff: {  	v1 =	vmax.f32 v1, v13;
	v13 =	vld [tilespmem:$0x1FFA0];
	_ =	sdelay $0x4  }
0x100: {  	v7 =	vmax.f32 v7, v13;
	v13 =	vld [tilespmem:$0x1FFD0];
	_ =	sdelay $0x4  }
0x101: {  	v6 =	vmax.f32 v6, v13;
	v13 =	vld [tilespmem:$0x1FF40];
	_ =	sdelay $0x4  }
0x102: {  	v0 =	vmax.f32 v0, v13;
	v13 =	vld [tilespmem:$0x1FF50];
	_ =	sdelay $0x4  }
0x103: {  	v1 =	vmax.f32 v1, v13;
	v13 =	vld [tilespmem:$0x1FF60];
	_ =	sdelay $0x4  }
0x104: {  	v7 =	vmax.f32 v7, v13;
	v13 =	vld [tilespmem:$0x1FF70];
	_ =	sdelay $0x1  }
0x105: {  	v58 =	vand.u32 $0x7FFFFFFF, v57;
	v59 =	vand.u32 $0x7FFFFFFF, v59  }
0x106: {  	v36 =	vand.u32 $0x7FFFFFFF, v40;
	v35 =	vand.u32 $0x7FFFFFFF, v52;
	v30 =	vand.u32 $0x7FFFFFFF, v37  }
0x107: {  	v2 =	vld [tilespmem:s20+$0x40];
	v37 =	vand.u32 $0x7FFFFFFF, v43;
	v56 =	vand.u32 $0x7FFFFFFF, v55;
	v0 =	vmax.f32 v0, v35  }
0x108: {  	v3 =	vld [tilespmem:s20+$0x50];
	v31 =	vand.u32 $0x7FFFFFFF, v38;
	v0 =	vmax.f32 v0, v30;
	v6 =	vmax.f32 v6, v13  }
0x109: {  	v4 =	vld [tilespmem:s20+$0x60];
	v1 =	vmax.f32 v1, v56;
	v7 =	vmax.f32 v7, v58;
	v6 =	vmax.f32 v6, v59  }
0x10a: {  	v5 =	vld [tilespmem:s20+$0x70];
	v1 =	vmax.f32 v1, v31;
	v7 =	vmax.f32 v7, v36;
	v6 =	vmax.f32 v6, v37  }
0x10b: {  	v0 =	vmax.f32 v0, v1;
	v1 =	vmax.f32 v7, v6  }
0x10c: {  	v0 =	vmax.f32 v0, v1;
	v1 =	vand.u32 $0x7FFFFFFF, v2  }
0x10d: {  	v8 =	vld [tilespmem:s20+$0x20];
	[tilespmem:$0x1FE20] =	vst v1;
	v1 =	vand.u32 $0x7FFFFFFF, v3  }
0x10e: {  	v9 =	vld [tilespmem:s19+$0x9840];
	[tilespmem:$0x1FE30] =	vst v1;
	v1 =	vand.u32 $0x7FFFFFFF, v4  }
0x10f: {  	v10 =	vld [tilespmem:s19+$0x9850];
	[tilespmem:$0x1FE40] =	vst v1;
	v1 =	vand.u32 $0x7FFFFFFF, v5  }
0x110: {  	[tilespmem:$0x1FE50] =	vst v1;
	v1 =	vld [tilespmem:$0x1FE60]  }
0x111: {  	v11 =	vld [tilespmem:s19+$0x9800]  }
0x112: {  	v60 =	vld [tilespmem:s19+$0x9470]  }
0x113: {  	v33 =	vld [tilespmem:s19+$0x9410]  }
0x114: {  	v29 =	vld [tilespmem:s19+$0x9000]  }
0x115: {  	s17 =	sor.u32 s31, s30;
	v6 =	vand.u32 $0x7FFFFFFF, v1;
	v1 =	vld [tilespmem:$0x1FE70]  }
0x116: {  	s17 =	sor.u32 $0x8C00, s17;
	v49 =	vld [tilespmem:s19+$0x9010]  }
0x117: {  	v47 =	vld [tilespmem:s17+$0x40]  }
0x118: {  	v53 =	vld [tilespmem:s17+$0x50]  }
0x119: {  	v45 =	vld [tilespmem:s17+$0x70]  }
0x11a: {  	v7 =	vand.u32 $0x7FFFFFFF, v1;
	v1 =	vld [tilespmem:$0x1FE80]  }
0x11b: {  	v42 =	vld [tilespmem:s19+$0x8870]  }
0x11c: {  	v41 =	vld [tilespmem:s19+$0x8830]  }
0x11d: {  	v63 =	vld [tilespmem:s19+$0x8450]  }
0x11e: {  	v57 =	vld [tilespmem:s19+$0x8420]  }
0x11f: {  	v28 =	vld [tilespmem:s19+$0x9070];
	v1 =	vand.u32 $0x7FFFFFFF, v1  }
0x120: {  	vm0 =	vgt.f32 v0, $0.0e+00;
	[tilespmem:$0x1FE90] =	vst v1;
	v1 =	vld [tilespmem:$0x1FEA0]  }
0x121: {  	v40 =	vld [tilespmem:s19+$0x8440];
	v0 =	vmpcnt.ones.xlane vm0  }
0x122: {  	v32 =	vld [tilespmem:s19+$0x9430]  }
0x123: {  	v50 =	vld [tilespmem:s19+$0x9830];
	vm0 =	vlt.s32 v0, $0x1  }
0x124: {  	v48 =	vld [tilespmem:s19+$0x9460];
	v0 =	vnsel vm0, $0x1, v0  }
0x125: {  	v0 =	vadd.s32 v12, v0;
	v12 =	vand.u32 $0x7FFFFFFF, v1;
	v1 =	vld [tilespmem:$0x1FEB0]  }
0x126: {  	v62 =	vld [tilespmem:s19+$0x9400]  }
0x127: {  	v54 =	vld [tilespmem:s19+$0x9450]  }
0x128: {  	v44 =	vld [tilespmem:s19+$0x8850]  }
0x129: {  	v52 =	vld [tilespmem:s19+$0x8820]  }
0x12a: {  	v13 =	vand.u32 $0x7FFFFFFF, v11;
	v11 =	vand.u32 $0x7FFFFFFF, v1;
	v1 =	vld [tilespmem:$0x1FEC0]  }
0x12b: {  	v43 =	vld [tilespmem:s19+$0x9060]  }
0x12c: {  	[tilespmem:$0x1FEE0] =	vst v50;
	v50 =	vld [tilespmem:s17+$0x30]  }
0x12d: {  	v27 =	vld [tilespmem:s19+$0x9050]  }
0x12e: {  	[tilespmem:$0x1FF00] =	vst v54;
	v54 =	vld [tilespmem:s19+$0x8460]  }
0x12f: {  	v14 =	vand.u32 $0x7FFFFFFF, v1;
	v1 =	vld [tilespmem:$0x1FED0]  }
0x130: {  	v51 =	vld [tilespmem:s19+$0x9440]  }
0x131: {  	v46 =	vld [tilespmem:s17+$0x10]  }
0x132: {  	v61 =	vld [tilespmem:s19+$0x9020]  }
0x133: {  	v55 =	vld [tilespmem:s19+$0x8470]  }
0x134: {  	v15 =	vand.u32 $0x7FFFFFFF, v1;
	v1 =	vld [tilespmem:$0x1FEE0]  }
0x135: {  	v39 =	vld [tilespmem:s17+$0x60]  }
0x136: {  	v34 =	vld [tilespmem:s19+$0x9420]  }
0x137: {  	[tilespmem:$0x1FEF0] =	vst v51;
	v51 =	vld [tilespmem:s19+$0x9030]  }
0x138: {  	v38 =	vld [tilespmem:s19+$0x8810]  }
0x139: {  	v20 =	vand.u32 $0x7FFFFFFF, v1;
	v1 =	vld [tilespmem:$0x1FEF0]  }
0x13a: {  	v26 =	vld [tilespmem:s19+$0x9040]  }
0x13b: {  	v21 =	vand.u32 $0x7FFFFFFF, v62;
	v62 =	vld [tilespmem:s19+$0x8430]  }
0x13c: {  	v35 =	vld [tilespmem:s19+$0x8860]  }
0x13d: {  	v8 =	vand.u32 $0x7FFFFFFF, v8;
	v9 =	vand.u32 $0x7FFFFFFF, v9;
	v56 =	vld [tilespmem:s17+$0x20]  }
0x13e: {  	v10 =	vand.u32 $0x7FFFFFFF, v10;
	v22 =	vand.u32 $0x7FFFFFFF, v33;
	v18 =	vand.u32 $0x7FFFFFFF, v1;
	v1 =	vld [tilespmem:$0x1FF00]  }
0x13f: {  	v33 =	vand.u32 $0x7FFFFFFF, v47;
	v31 =	vand.u32 $0x7FFFFFFF, v29;
	v29 =	vand.u32 $0x7FFFFFFF, v61;
	v61 =	vld [tilespmem:s19+$0x8010]  }
0x140: {  	v57 =	vand.u32 $0x7FFFFFFF, v57;
	v28 =	vand.u32 $0x7FFFFFFF, v28;
	v40 =	vand.u32 $0x7FFFFFFF, v40;
	v58 =	vld [tilespmem:s19+$0x8800]  }
0x141: {  	v17 =	vand.u32 $0x7FFFFFFF, v48;
	v50 =	vand.u32 $0x7FFFFFFF, v50;
	v54 =	vand.u32 $0x7FFFFFFF, v54;
	v36 =	vld [tilespmem:s17+$0x0]  }
0x142: {  	v46 =	vand.u32 $0x7FFFFFFF, v46;
	v55 =	vand.u32 $0x7FFFFFFF, v55;
	v39 =	vand.u32 $0x7FFFFFFF, v39;
	v59 =	vld [tilespmem:s19+$0x8400]  }
0x143: {  	v24 =	vand.u32 $0x7FFFFFFF, v34;
	v37 =	vld [tilespmem:s19+$0x8840];
	v19 =	vand.u32 $0x7FFFFFFF, v1;
	v1 =	vand.u32 $0x7FFFFFFF, v60  }
0x144: {  	v34 =	vand.u32 $0x7FFFFFFF, v53;
	v47 =	vand.u32 $0x7FFFFFFF, v56;
	v56 =	vld [tilespmem:s19+$0x8050];
	[tilespmem:$0x1FF10] =	vst v1;
	v1 =	vand.u32 $0x7FFFFFFF, v32  }
0x145: {  	v53 =	vand.u32 $0x7FFFFFFF, v52;
	v52 =	vand.u32 $0x7FFFFFFF, v41;
	v60 =	vld [tilespmem:s19+$0x8410];
	[tilespmem:$0x1FF20] =	vst v1;
	v1 =	vand.u32 $0x7FFFFFFF, v51  }
0x146: {  	v41 =	vand.u32 $0x7FFFFFFF, v63;
	v25 =	vand.u32 $0x7FFFFFFF, v26;
	v26 =	vand.u32 $0x7FFFFFFF, v27;
	[tilespmem:$0x1FF30] =	vst v1;
	v1 =	vld [tilespmem:s19+$0x8000]  }
0x147: {  	v27 =	vand.u32 $0x7FFFFFFF, v43;
	v63 =	vand.u32 $0x7FFFFFFF, v61;
	v61 =	vand.u32 $0x7FFFFFFF, v62;
	v62 =	vld [tilespmem:s19+$0x8070]  }
0x148: {  	v48 =	vand.u32 $0x7FFFFFFF, v36;
	v36 =	vld [tilespmem:s19+$0x8030];
	v59 =	vand.u32 $0x7FFFFFFF, v59;
	v43 =	vand.u32 $0x7FFFFFFF, v37  }
0x149: {  	v37 =	vand.u32 $0x7FFFFFFF, v45;
	v45 =	vand.u32 $0x7FFFFFFF, v42;
	v42 =	vand.u32 $0x7FFFFFFF, v58;
	v58 =	vld [tilespmem:s19+$0x8060]  }
0x14a: {  	v32 =	vand.u32 $0x7FFFFFFF, v49;
	v49 =	vand.u32 $0x7FFFFFFF, v44;
	v44 =	vand.u32 $0x7FFFFFFF, v35;
	v35 =	vld [tilespmem:s19+$0x8020]  }
0x14b: {  	s18 =	simm.s32 $0x400;
	s17 =	simm.s32 $0x80;
	v51 =	vand.u32 $0x7FFFFFFF, v38;
	v38 =	vld [tilespmem:s19+$0x8040];
	v60 =	vand.u32 $0x7FFFFFFF, v60;
	v1 =	vand.u32 $0x7FFFFFFF, v1  }
.LBB2_5:
0x14c: {  	s19 =	sor.u32 s18, s17  }
0x14d: {  	s21 =	sor.u32 $0x9C00, s19  }
0x14e: {  	v3 =	vld [tilespmem:s21+$0x40]  }
0x14f: {  	v23 =	vld [tilespmem:s21+$0x60]  }
0x150: {  	s20 =	sand.u32 $0x6000, s18;
	s31 =	sand.u32 $0x380, s17;
	v30 =	vld [tilespmem:s21+$0x70]  }
0x151: {  	s19 =	sor.u32 s31, s20;
	v16 =	vld [tilespmem:s21+$0x0]  }
0x152: {  	v35 =	vand.u32 $0x7FFFFFFF, v35;
	v58 =	vand.u32 $0x7FFFFFFF, v58;
	v2 =	vand.u32 $0x7FFFFFFF, v62;
	v62 =	vld [tilespmem:s19+$0x9440]  }
0x153: {  	v38 =	vand.u32 $0x7FFFFFFF, v38;
	v35 =	vmax.f32 v35, v58;
	v58 =	vld [tilespmem:s21+$0x50]  }
0x154: {  	s20 =	sor.u32 s20, s17;
	v56 =	vand.u32 $0x7FFFFFFF, v56;
	v38 =	vmax.f32 v1, v38;
	v1 =	vld [tilespmem:$0x1FF30]  }
0x155: {  	s20 =	sor.u32 $0x8C00, s20;
	v56 =	vmax.f32 v63, v56;
	v63 =	vmax.f32 v38, v59;
	v38 =	vld [tilespmem:s19+$0x9860]  }
0x156: {  	v35 =	vmax.f32 v35, v57;
	v57 =	vld [tilespmem:s20+$0x20]  }
0x157: {  	v36 =	vand.u32 $0x7FFFFFFF, v36;
	v59 =	vld [tilespmem:s20+$0x30]  }
0x158: {  	v2 =	vmax.f32 v36, v2;
	v56 =	vmax.f32 v56, v60;
	v60 =	vld [tilespmem:s19+$0x8800]  }
0x159: {  	v2 =	vmax.f32 v2, v61;
	v35 =	vmax.f32 v35, v54;
	v54 =	vld [tilespmem:s20+$0x0]  }
0x15a: {  	v2 =	vmax.f32 v2, v55;
	v55 =	vld [tilespmem:s20+$0x10]  }
0x15b: {  	v36 =	vmax.f32 v63, v40;
	v63 =	vld [tilespmem:s19+$0x8820]  }
0x15c: {  	v56 =	vmax.f32 v56, v41;
	v41 =	vld [tilespmem:s19+$0x8830]  }
0x15d: {  	v40 =	vld [tilespmem:s19+$0x8440]  }
0x15e: {  	v36 =	vmax.f32 v36, v42;
	v42 =	vld [tilespmem:s21+$0x10]  }
0x15f: {  	v51 =	vmax.f32 v56, v51;
	v56 =	vld [tilespmem:s19+$0x9830]  }
0x160: {  	v2 =	vmax.f32 v2, v52;
	v52 =	vld [tilespmem:s19+$0x8860]  }
0x161: {  	v35 =	vmax.f32 v35, v53;
	v53 =	vld [tilespmem:s19+$0x8870];
	v2 =	vmax.f32 v2, v45  }
0x162: {  	v36 =	vmax.f32 v36, v43;
	v43 =	vld [tilespmem:s21+$0x20];
	v2 =	vmax.f32 v2, v50  }
0x163: {  	v35 =	vmax.f32 v35, v44;
	v44 =	vld [tilespmem:s21+$0x30];
	v2 =	vmax.f32 v2, v37  }
0x164: {  	v2 =	vmax.f32 v2, v1;
	v1 =	vld [tilespmem:$0x1FF20]  }
0x165: {  	v45 =	vld [tilespmem:s19+$0x9840]  }
0x166: {  	v49 =	vmax.f32 v51, v49;
	v51 =	vld [tilespmem:s19+$0x8850]  }
0x167: {  	v35 =	vmax.f32 v35, v47;
	v47 =	vld [tilespmem:s20+$0x50]  }
0x168: {  	v36 =	vmax.f32 v36, v48;
	v48 =	vld [tilespmem:s20+$0x60];
	v2 =	vmax.f32 v2, v28  }
0x169: {  	v2 =	vmax.f32 v2, v1;
	v1 =	vld [tilespmem:$0x1FF10]  }
0x16a: {  	v46 =	vmax.f32 v49, v46;
	v49 =	vld [tilespmem:s20+$0x70]  }
0x16b: {  	v50 =	vld [tilespmem:s19+$0x8840]  }
0x16c: {  	v36 =	vmax.f32 v36, v33;
	v33 =	vld [tilespmem:s19+$0x9850]  }
0x16d: {  	v37 =	vld [tilespmem:s19+$0x9020]  }
0x16e: {  	v2 =	vmax.f32 v2, v1;
	v1 =	vld [tilespmem:$0x1FE90]  }
0x16f: {  	v35 =	vmax.f32 v35, v39;
	v39 =	vld [tilespmem:s19+$0x9030]  }
0x170: {  	v34 =	vmax.f32 v46, v34;
	v46 =	vld [tilespmem:s20+$0x40]  }
0x171: {  	v36 =	vmax.f32 v36, v31;
	v31 =	vmax.f32 v34, v32;
	v34 =	vld [tilespmem:s19+$0x9070];
	v2 =	vmax.f32 v2, v20  }
0x172: {  	v29 =	vmax.f32 v35, v29;
	v35 =	vld [tilespmem:s19+$0x9000];
	v61 =	vmax.f32 v36, v25;
	v2 =	vmax.f32 v2, v11  }
0x173: {  	v21 =	vmax.f32 v61, v21;
	v2 =	vmax.f32 v2, v1;
	v1 =	vld [tilespmem:$0x1FE20]  }
0x174: {  	v25 =	vld [tilespmem:s19+$0x9870];
	v18 =	vmax.f32 v21, v18  }
0x175: {  	v28 =	vld [tilespmem:s19+$0x9800];
	v13 =	vmax.f32 v18, v13  }
0x176: {  	v27 =	vmax.f32 v29, v27;
	v29 =	vld [tilespmem:s19+$0x9050];
	v9 =	vmax.f32 v13, v9  }
0x177: {  	v26 =	vmax.f32 v31, v26;
	v31 =	vld [tilespmem:s19+$0x9060];
	v6 =	vmax.f32 v9, v6  }
0x178: {  	v22 =	vmax.f32 v26, v22;
	v6 =	vmax.f32 v6, v1;
	v1 =	vld [tilespmem:$0x1FE30]  }
0x179: {  	v36 =	vld [tilespmem:s19+$0x9010];
	v19 =	vmax.f32 v22, v19  }
0x17a: {  	v24 =	vmax.f32 v27, v24;
	v27 =	vld [tilespmem:s19+$0x9810];
	v14 =	vmax.f32 v19, v14  }
0x17b: {  	v26 =	vld [tilespmem:s19+$0x9040];
	v10 =	vmax.f32 v14, v10  }
0x17c: {  	v21 =	vld [tilespmem:s19+$0x9820];
	v7 =	vmax.f32 v10, v7  }
0x17d: {  	v17 =	vmax.f32 v24, v17;
	v7 =	vmax.f32 v7, v1;
	v1 =	vld [tilespmem:$0x1FE40]  }
0x17e: {  	v15 =	vmax.f32 v17, v15;
	v17 =	vld [tilespmem:s19+$0x9450]  }
0x17f: {  	v9 =	vld [tilespmem:s19+$0x9460]  }
0x180: {  	v40 =	vand.u32 $0x7FFFFFFF, v40;
	v22 =	vld [tilespmem:s19+$0x9410];
	v12 =	vmax.f32 v15, v12  }
0x181: {  	v24 =	vld [tilespmem:s19+$0x9420];
	v18 =	vand.u32 $0x7FFFFFFF, v62;
	v62 =	vand.u32 $0x7FFFFFFF, v39;
	v5 =	vmax.f32 v12, v8  }
0x182: {  	[tilespmem:$0x1FE00] =	vst v3;
	v39 =	vand.u32 $0x7FFFFFFF, v48;
	v48 =	vand.u32 $0x7FFFFFFF, v54;
	v3 =	vmax.f32 v5, v1;
	v1 =	vld [tilespmem:$0x1FE50]  }
0x183: {  	v10 =	vld [tilespmem:s19+$0x9470];
	v13 =	vand.u32 $0x7FFFFFFF, v28;
	v12 =	vand.u32 $0x7FFFFFFF, v38;
	v28 =	vand.u32 $0x7FFFFFFF, v34  }
0x184: {  	v32 =	vand.u32 $0x7FFFFFFF, v36;
	v19 =	vand.u32 $0x7FFFFFFF, v17;
	v17 =	vand.u32 $0x7FFFFFFF, v9;
	v9 =	vld [tilespmem:s19+$0x8420]  }
0x185: {  	v34 =	vand.u32 $0x7FFFFFFF, v47;
	v47 =	vand.u32 $0x7FFFFFFF, v57;
	v14 =	vand.u32 $0x7FFFFFFF, v27;
	v11 =	vld [tilespmem:s19+$0x9400]  }
0x186: {  	v61 =	vld [tilespmem:s19+$0x8810];
	v27 =	vand.u32 $0x7FFFFFFF, v31;
	v31 =	vand.u32 $0x7FFFFFFF, v35;
	v15 =	vand.u32 $0x7FFFFFFF, v21  }
0x187: {  	v22 =	vand.u32 $0x7FFFFFFF, v22;
	v24 =	vand.u32 $0x7FFFFFFF, v24;
	v5 =	vld [tilespmem:s19+$0x8460];
	v2 =	vmax.f32 v2, v1  }
0x188: {  	[tilespmem:$0x1FF30] =	vst v62;
	v62 =	vld [tilespmem:s19+$0x8070];
	v20 =	vand.u32 $0x7FFFFFFF, v56;
	v4 =	vmax.f32 v6, v7;
	v2 =	vmax.f32 v3, v2  }
0x189: {  	v10 =	vand.u32 $0x7FFFFFFF, v10;
	v57 =	vand.u32 $0x7FFFFFFF, v9;
	v7 =	vld [tilespmem:s19+$0x8400];
	v2 =	vmax.f32 v4, v2  }
0x18a: {  	v21 =	vand.u32 $0x7FFFFFFF, v11;
	v6 =	vand.u32 $0x7FFFFFFF, v44;
	v1 =	vld [tilespmem:$0x1FE00];
	vm0 =	vgt.f32 v2, $0.0e+00  }
0x18b: {  	v44 =	vand.u32 $0x7FFFFFFF, v52;
	v4 =	vand.u32 $0x7FFFFFFF, v58;
	v2 =	vld [tilespmem:s19+$0x9430];
	v3 =	vmpcnt.ones.xlane vm0  }
0x18c: {  	v11 =	vld [tilespmem:s19+$0x8010];
	v52 =	vand.u32 $0x7FFFFFFF, v41;
	v54 =	vand.u32 $0x7FFFFFFF, v5;
	[tilespmem:$0x1FE30] =	vst v4;
	v4 =	vand.u32 $0x7FFFFFFF, v23  }
0x18d: {  	v8 =	vld [tilespmem:s19+$0x8410];
	[tilespmem:$0x1FF10] =	vst v10;
	v23 =	vand.u32 $0x7FFFFFFF, v16;
	v16 =	vand.u32 $0x7FFFFFFF, v43;
	vm0 =	vlt.s32 v3, $0x1  }
0x18e: {  	[tilespmem:$0x1FE90] =	vst v6;
	v6 =	vld [tilespmem:s19+$0x8470];
	v43 =	vand.u32 $0x7FFFFFFF, v50;
	v50 =	vand.u32 $0x7FFFFFFF, v59;
	v3 =	vnsel vm0, $0x1, v3  }
0x18f: {  	v36 =	vld [tilespmem:s19+$0x8030];
	v59 =	vand.u32 $0x7FFFFFFF, v7;
	[tilespmem:$0x1FE40] =	vst v4;
	v4 =	vand.u32 $0x7FFFFFFF, v30;
	v0 =	vadd.s32 v0, v3  }
0x190: {  	v10 =	vld [tilespmem:s19+$0x8430];
	[tilespmem:$0x1FE50] =	vst v4;
	v3 =	vand.u32 $0x7FFFFFFF, v1;
	v1 =	vand.u32 $0x7FFFFFFF, v45;
	v2 =	vand.u32 $0x7FFFFFFF, v2  }
0x191: {  	v4 =	vld [tilespmem:s19+$0x8450];
	v45 =	vand.u32 $0x7FFFFFFF, v53;
	v53 =	vand.u32 $0x7FFFFFFF, v63;
	v63 =	vand.u32 $0x7FFFFFFF, v11;
	[tilespmem:$0x1FE20] =	vst v3  }
0x192: {  	p2 =	sne.s32 s18, $0x7C00;
	v30 =	vmovc v0;
	v0 =	vand.u32 $0x7FFFFFFF, v42;
	v3 =	vand.u32 $0x7FFFFFFF, v33;
	[tilespmem:$0x1FF20] =	vst v2;
	v2 =	vld [tilespmem:s19+$0x8000];
	v33 =	vand.u32 $0x7FFFFFFF, v46  }
.Ltmp3:
0x193: {  	v38 =	vld [tilespmem:s19+$0x8040];
	v46 =	vand.u32 $0x7FFFFFFF, v55;
	v42 =	vand.u32 $0x7FFFFFFF, v60;
	v55 =	vand.u32 $0x7FFFFFFF, v6;
	(pc) =	sbr.rel @p2 .LBB2_5-.Ltmp3, $4  }
0x194: {  	v35 =	vld [tilespmem:s19+$0x8020];
	v60 =	vand.u32 $0x7FFFFFFF, v8;
	[tilespmem:$0x1FE10] =	vst v3;
	v3 =	vand.u32 $0x7FFFFFFF, v25;
	v25 =	vand.u32 $0x7FFFFFFF, v26  }
0x195: {  	v56 =	vld [tilespmem:s19+$0x8050];
	v6 =	vmovc v23;
	v26 =	vand.u32 $0x7FFFFFFF, v29;
	v29 =	vand.u32 $0x7FFFFFFF, v37;
	v37 =	vand.u32 $0x7FFFFFFF, v49  }
0x196: {  	v58 =	vld [tilespmem:s19+$0x8060];
	v8 =	vmovc v16;
	v9 =	vmovc v1;
	v49 =	vand.u32 $0x7FFFFFFF, v51;
	v51 =	vand.u32 $0x7FFFFFFF, v61;
	v41 =	vand.u32 $0x7FFFFFFF, v4  }
0x197: {  	s18 =	sadd.s32 $0x400, s18;
	s17 =	sadd.s32 $0x80, s17;
	v7 =	vmovc v0;
	v61 =	vand.u32 $0x7FFFFFFF, v10;
	v11 =	vmovc v3;
	v10 =	vld [tilespmem:$0x1FE10];
	v0 =	vmov v30;
	v1 =	vand.u32 $0x7FFFFFFF, v2  }
0x198: {  	_ = 	snop  }
0x199: {  	v2 =	vand.u32 $0x7FFFFFFF, v38;
	v38 =	vand.u32 $0x7FFFFFFF, v36;
	v5 =	vand.u32 $0x7FFFFFFF, v62  }
0x19a: {  	v1 =	vmax.f32 v1, v2;
	v3 =	vand.u32 $0x7FFFFFFF, v35;
	v2 =	vand.u32 $0x7FFFFFFF, v56  }
0x19b: {  	v1 =	vmax.f32 v1, v59;
	v2 =	vmax.f32 v63, v2;
	v4 =	vand.u32 $0x7FFFFFFF, v58  }
0x19c: {  	v1 =	vmax.f32 v1, v40;
	v3 =	vmax.f32 v3, v4;
	v4 =	vmax.f32 v38, v5  }
0x19d: {  	v2 =	vmax.f32 v2, v60;
	v1 =	vmax.f32 v1, v42;
	v3 =	vmax.f32 v3, v57  }
0x19e: {  	v4 =	vmax.f32 v4, v61;
	v2 =	vmax.f32 v2, v41;
	v1 =	vmax.f32 v1, v43  }
0x19f: {  	v3 =	vmax.f32 v3, v54;
	v4 =	vmax.f32 v4, v55;
	v2 =	vmax.f32 v2, v51  }
0x1a0: {  	v1 =	vmax.f32 v1, v48;
	v3 =	vmax.f32 v3, v53;
	v4 =	vmax.f32 v4, v52  }
0x1a1: {  	v56 =	vld [tilespmem:$0x1FF30];
	v2 =	vmax.f32 v2, v49;
	v1 =	vmax.f32 v1, v33;
	v3 =	vmax.f32 v3, v44  }
0x1a2: {  	v4 =	vmax.f32 v4, v45;
	v2 =	vmax.f32 v2, v46;
	v1 =	vmax.f32 v1, v31  }
0x1a3: {  	v57 =	vld [tilespmem:$0x1FF20];
	v3 =	vmax.f32 v3, v47;
	v4 =	vmax.f32 v4, v50;
	v2 =	vmax.f32 v2, v34  }
0x1a4: {  	v62 =	vld [tilespmem:$0x1FE40];
	v1 =	vmax.f32 v1, v25;
	v3 =	vmax.f32 v3, v39;
	v4 =	vmax.f32 v4, v37  }
0x1a5: {  	v58 =	vld [tilespmem:$0x1FF10];
	v2 =	vmax.f32 v2, v32;
	v1 =	vmax.f32 v1, v21;
	v3 =	vmax.f32 v3, v29  }
0x1a6: {  	v59 =	vld [tilespmem:$0x1FE90];
	v4 =	vmax.f32 v4, v56;
	v2 =	vmax.f32 v2, v26;
	v1 =	vmax.f32 v1, v18  }
0x1a7: {  	v60 =	vld [tilespmem:$0x1FE20];
	v3 =	vmax.f32 v3, v27;
	v4 =	vmax.f32 v4, v28;
	v2 =	vmax.f32 v2, v22  }
0x1a8: {  	v63 =	vld [tilespmem:$0x1FE50];
	v1 =	vmax.f32 v1, v13;
	v3 =	vmax.f32 v3, v24;
	v4 =	vmax.f32 v4, v57  }
0x1a9: {  	v61 =	vld [tilespmem:$0x1FE30];
	v2 =	vmax.f32 v2, v19;
	v1 =	vmax.f32 v1, v9;
	v3 =	vmax.f32 v3, v17  }
0x1aa: {  	v4 =	vmax.f32 v4, v58;
	v2 =	vmax.f32 v2, v14;
	v1 =	vmax.f32 v1, v6  }
0x1ab: {  	v3 =	vmax.f32 v3, v15;
	v4 =	vmax.f32 v4, v20;
	v2 =	vmax.f32 v2, v10  }
0x1ac: {  	v1 =	vmax.f32 v1, v60;
	v3 =	vmax.f32 v3, v12;
	v4 =	vmax.f32 v4, v11  }
0x1ad: {  	v2 =	vmax.f32 v2, v7;
	v3 =	vmax.f32 v3, v8;
	v4 =	vmax.f32 v4, v59  }
0x1ae: {  	v2 =	vmax.f32 v2, v61;
	v3 =	vmax.f32 v3, v62;
	v4 =	vmax.f32 v4, v63  }
0x1af: {  	v1 =	vmax.f32 v1, v2;
	v2 =	vmax.f32 v3, v4  }
0x1b0: {  	v1 =	vmax.f32 v1, v2  }
0x1b1: {  	vm0 =	vgt.f32 v1, $0.0e+00  }
.Ltmp4:
0x1b2: {  	v1 =	vmpcnt.ones.xlane vm0;
	(pc) =	sbr.rel @!p1 .LBB2_8-.Ltmp4, $4  }
0x1b3: {  	_ = 	snop  }
0x1b4: {  	vm0 =	vlt.s32 v1, $0x1  }
0x1b5: {  	v1 =	vnsel vm0, $0x1, v1  }
0x1b6: {  	v0 =	vadd.s32 v0, v1  }
.Ltmp5:
0x1b7: {  	(pc) =	sbr.rel .LBB2_2-.Ltmp5, $2  }
0x1b8: {  	_ =	sdelay $0x2  }
0x1b9: {  	p1 =	por $0x0, $0x0;
	s18 =	smov.u32 s7  }
.LBB2_9:
0x1ba: {  	_ =	sfence.sel $0x180000  }
0x1bb: {  	[bflag:$0x0] =	sbarrier.arrive $0xFFFF  }
0x1bc: {  	_ =	strace $0x90000047  }
0x1bd: {  	s0 =	sadd.s32 @!p0 $0x100000, s0;
	[bflag:$0x2] =	sbarrier.arrive $0xFFFF  }
0x1be: {  	[sflag:s0] =	ssyncadd.tile.s32 @!p0 $0x1;
	_ =	shalt  }
.Lfunc_end2:
_tile_overlayer_lowered:
.L_overlay_start_2:
0x1bf: {  	(tag) =	ssettag $0x2  }
0x1c0: {  	s0 =	rddreg [dreg:$0x0];
	s2 =	stileid.u32  }
0x1c1: {  	s1 =	rddreg [dreg:$0x1];
	p0 =	sne.s32 s2, $0x0  }
0x1c2: {  	s3 =	rddreg [dreg:$0x2];
	[bflag:$0x3] =	sbarrier.arrive $0xFFFF;
	s2 =	simm.s32 @!p0 $0x1C03  }
0x1c3: {  	[timem:s3], [sflag:s2] =	dma.local @!p0 [hbm:s0], s1  }
0x1c4: {  	s0 =	simm.s32 @!p0 $0x3  }
0x1c5: {  	_ =	swait.ge @!p0 [sflag:s0], s1  }
0x1c6: {  	s1 =	ssub.s32 @!p0 $0x0, s1;
	[sflag:s0] =	ssyncset.done @!p0 $0x0  }
0x1c7: {  	[sflag:s0] =	ssyncadd.s32 @!p0 s1  }
0x1c8: {  	[bflag:$0x3] =	sbarrier.arrive $0xFFFF  }
0x1c9: {  	_ =	shalt  }

</sc_bundles>
